<compile_context>
chip_gen: v7x
topology: tpu7x:2x2x1
jax: 0.10.2.dev20260603
libtpu: 0.0.44.dev20260713+nightly
codegen_flags: <defaults>
</compile_context>

<pallas_src>
import functools

import jax
import jax.numpy as jnp
from jax import lax
from jax.experimental import pallas as pl
from jax.experimental.pallas import tpu as pltpu
from jax.experimental.pallas import tpu_sc as plsc


@functools.lru_cache(maxsize=None)
def _build_gather(vocab, dim, batch, seq):
    info = plsc.get_sparse_core_info()
    nc, ns = info.num_cores, info.num_subcores
    nw = nc * ns
    n_rows = batch * seq
    rows_per_w = n_rows // nw
    chunk = 16
    n_chunks = rows_per_w // chunk
    nb = 3

    mesh = plsc.VectorSubcoreMesh(core_axis_name="c", subcore_axis_name="s")

    @functools.partial(
        pl.kernel,
        mesh=mesh,
        out_type=jax.ShapeDtypeStruct((n_rows, dim), jnp.float32),
        scratch_types=[
            pltpu.VMEM((n_chunks, chunk), jnp.int32),
        ]
        + [pltpu.VMEM((chunk, dim), jnp.float32) for _ in range(nb)]
        + [pltpu.SemaphoreType.DMA for _ in range(2 * nb + 1)],
    )
    def gather_kernel(idx_hbm, table_hbm, out_hbm, idx_v, *rest):
        bufs = rest[:nb]
        gsems = rest[nb:2 * nb]
        isem = rest[2 * nb]
        ssems = rest[2 * nb + 1:]
        wid = lax.axis_index("s") * nc + lax.axis_index("c")
        base = wid * rows_per_w
        w_per_b = seq // rows_per_w
        row = wid // w_per_b
        col = (wid % w_per_b) * rows_per_w
        i_handles = [
            pltpu.async_copy(
                idx_hbm.at[row, pl.ds(col + i * chunk, chunk)],
                idx_v.at[i], isem)
            for i in range(n_chunks)
        ]
        for h in i_handles:
            h.wait()

        g_handles = [None] * n_chunks
        s_handles = [None] * n_chunks
        for j in range(min(nb, n_chunks)):
            g_handles[j] = pltpu.async_copy(
                table_hbm.at[idx_v.at[j]], bufs[j], gsems[j])
        for i in range(n_chunks):
            if i >= 1 and i + nb - 1 < n_chunks:
                s_handles[i - 1].wait()
                j = i + nb - 1
                g_handles[j] = pltpu.async_copy(
                    table_hbm.at[idx_v.at[j]], bufs[j % nb], gsems[j % nb])
            g_handles[i].wait()
            s_handles[i] = pltpu.async_copy(
                bufs[i % nb], out_hbm.at[pl.ds(base + i * chunk, chunk)],
                ssems[i % nb])
        for i in range(max(0, n_chunks - nb), n_chunks):
            s_handles[i].wait()

    return gather_kernel


def kernel(input_ids, token_embedding):
    b, s = input_ids.shape
    vocab, dim = token_embedding.shape
    fn = _build_gather(vocab, dim, b, s)
    out = fn(input_ids, token_embedding)
    return out.reshape(b, s, dim)

# --- scband reference (transcript-rebuilt; emitter-appended) ---
"""Pipeline reference for scband-mo-ex-lstm-46454366274001 (READ-ONLY COPY).

The authoritative reference and input builder live on the scoring server;
editing this copy changes nothing except your own understanding.
"""

import jax, jax.numpy as jnp
import numpy as np

VOCAB = 100000
EMBED_DIM = 2048
BATCH = 4
SEQ = 2048

def setup_inputs(seed: int = 0) -> dict:
    key = jax.random.key(seed)
    k1, k2 = jax.random.split(key)
    input_ids = jax.random.randint(k1, (BATCH, SEQ), 0, VOCAB, dtype=jnp.int32)
    token_embedding = jax.random.normal(k2, (VOCAB, EMBED_DIM), dtype=jnp.float32) * 0.02
    return {"input_ids": input_ids, "token_embedding": token_embedding}

def reference(input_ids, token_embedding):
    # MoExLSTM.forward with num_blocks=0 and add_embedding_dropout=False:
    # hidden_states = self.token_embedding(input_ids); dropout is Identity;
    # the (empty) layer stack leaves hidden_states unchanged.
    hidden_states = jnp.take(token_embedding, input_ids, axis=0)
    layer_outputs = None  # return_layers_outputs=False
    return hidden_states

if __name__ == "__main__":
    import jax
    _d = setup_inputs()
    print(jax.jit(kernel)(*tuple(_d.values())))

</pallas_src>

<mosaic_0001>
#map = affine_map<(d0, d1) -> (0, 0)>
module attributes {stable_mosaic.version = 14 : i64} {
  func.func @gather_kernel(%arg0: i32, %arg1: i32, %arg2: memref<4x2048xi32, #tpu.memory_space<hbm>>, %arg3: memref<100000x2048xf32, #tpu.memory_space<hbm>>, %arg4: memref<8192x2048xf32, #tpu.memory_space<hbm>>, %arg5: memref<16x16xi32, #tpu.memory_space<vmem>>, %arg6: memref<16x2048xf32, #tpu.memory_space<vmem>>, %arg7: memref<16x2048xf32, #tpu.memory_space<vmem>>, %arg8: memref<16x2048xf32, #tpu.memory_space<vmem>>, %arg9: memref<!tpu.dma_semaphore, #tpu.memory_space<semaphore_mem>>, %arg10: memref<!tpu.dma_semaphore, #tpu.memory_space<semaphore_mem>>, %arg11: memref<!tpu.dma_semaphore, #tpu.memory_space<semaphore_mem>>, %arg12: memref<!tpu.dma_semaphore, #tpu.memory_space<semaphore_mem>>, %arg13: memref<!tpu.dma_semaphore, #tpu.memory_space<semaphore_mem>>, %arg14: memref<!tpu.dma_semaphore, #tpu.memory_space<semaphore_mem>>, %arg15: memref<!tpu.dma_semaphore, #tpu.memory_space<semaphore_mem>>) attributes {dimension_semantics = [#tpu.dimension_semantics<core_parallel>, #tpu.dimension_semantics<subcore_parallel>], iteration_bounds = array<i64: 2, 16>, scalar_prefetch = 0 : i64, scratch_operands = 11 : i64, tpu.core_type = #tpu.core_type<sc_vector_subcore>, window_params = [{transform_indices = #map}, {transform_indices = #map}, {transform_indices = #map}]} {
    %mul3A = arith.constant 2 : i32
    %mul3A_0 = arith.muli %arg1, %mul3A : i32
    %add3A = arith.addi %mul3A_0, %arg0 : i32
    %mul3A_1 = arith.constant 256 : i32
    %mul3A_2 = arith.muli %add3A, %mul3A_1 : i32
    %jit3A = arith.constant 8 : i32
    %div3A = arith.divsi %add3A, %jit3A : i32
    %sign3A = arith.constant 0 : i32
    %sign3A_3 = arith.cmpi sgt, %add3A, %sign3A : i32
    %sign3A_4 = arith.extui %sign3A_3 : i1 to i32
    %sign3A_5 = arith.constant 0 : i32
    %sign3A_6 = arith.cmpi slt, %add3A, %sign3A_5 : i32
    %sign3A_7 = arith.extui %sign3A_6 : i1 to i32
    %sign3A_8 = arith.subi %sign3A_4, %sign3A_7 : i32
    %sign3A_9 = arith.constant 0 : i32
    %sign3A_10 = arith.cmpi sgt, %jit3A, %sign3A_9 : i32
    %sign3A_11 = arith.extui %sign3A_10 : i1 to i32
    %sign3A_12 = arith.constant 0 : i32
    %sign3A_13 = arith.cmpi slt, %jit3A, %sign3A_12 : i32
    %sign3A_14 = arith.extui %sign3A_13 : i1 to i32
    %sign3A_15 = arith.subi %sign3A_11, %sign3A_14 : i32
    %ne3A = arith.cmpi ne, %sign3A_8, %sign3A_15 : i32
    %rem3A = arith.remsi %add3A, %jit3A : i32
    %ne3A_16 = arith.constant 0 : i32
    %ne3A_17 = arith.cmpi ne, %rem3A, %ne3A_16 : i32
    %and3A = arith.andi %ne3A, %ne3A_17 : i1
    %sub3A = arith.constant 1 : i32
    %sub3A_18 = arith.subi %div3A, %sub3A : i32
    %select_n3A = arith.select %and3A, %sub3A_18, %div3A : i32
    %jit3A_19 = arith.constant 8 : i32
    %eq3A = arith.constant 0 : i32
    %eq3A_20 = arith.cmpi eq, %jit3A_19, %eq3A : i32
    %jit3A_21 = arith.constant 1 : i32
    %select_n3A_22 = arith.select %eq3A_20, %jit3A_21, %jit3A_19 : i32
    %rem3A_23 = arith.remsi %add3A, %select_n3A_22 : i32
    %ne3A_24 = arith.constant 0 : i32
    %ne3A_25 = arith.cmpi ne, %rem3A_23, %ne3A_24 : i32
    %lt3A = arith.constant 0 : i32
    %lt3A_26 = arith.cmpi slt, %rem3A_23, %lt3A : i32
    %lt3A_27 = arith.constant 0 : i32
    %lt3A_28 = arith.cmpi slt, %select_n3A_22, %lt3A_27 : i32
    %ne3A_29 = arith.xori %lt3A_26, %lt3A_28 : i1
    %and3A_30 = arith.andi %ne3A_29, %ne3A_25 : i1
    %add3A_31 = arith.addi %rem3A_23, %select_n3A_22 : i32
    %select_n3A_32 = arith.select %and3A_30, %add3A_31, %rem3A_23 : i32
    %mul3A_33 = arith.constant 256 : i32
    %mul3A_34 = arith.muli %select_n3A_32, %mul3A_33 : i32
    %add3A_35 = arith.constant 0 : i32
    %add3A_36 = arith.addi %mul3A_34, %add3A_35 : i32
    %dma_start3A = arith.constant 0 : i32
    %dma_start3A_37 = arith.constant 0 : i32
    %dma_start3A_38 = tpu.memref_slice %arg5[%dma_start3A, %dma_start3A_37] : memref<16x16xi32, #tpu.memory_space<vmem>> -> memref<1x16xi32, #tpu.memory_space<vmem>>
    %dma_start3A_39 = tpu.memref_squeeze %dma_start3A_38 : memref<1x16xi32, #tpu.memory_space<vmem>> -> memref<16xi32, #tpu.memory_space<vmem>>
    %dma_start3A_40 = tpu.memref_slice %arg2[%select_n3A, %add3A_36] : memref<4x2048xi32, #tpu.memory_space<hbm>> -> memref<1x16xi32, #tpu.memory_space<hbm>>
    %dma_start3A_41 = tpu.memref_squeeze %dma_start3A_40 : memref<1x16xi32, #tpu.memory_space<hbm>> -> memref<16xi32, #tpu.memory_space<hbm>>
    %dma_start3A_42 = arith.constant 0 : i32
    %dma_start3A_43 = tpu.memref_slice %arg5[%dma_start3A, %dma_start3A_42] : memref<16x16xi32, #tpu.memory_space<vmem>> -> memref<1x16xi32, #tpu.memory_space<vmem>>
    %dma_start3A_44 = tpu.memref_squeeze %dma_start3A_43 : memref<1x16xi32, #tpu.memory_space<vmem>> -> memref<16xi32, #tpu.memory_space<vmem>>
    %dma_start3A_45 = tpu.memref_slice %arg2[%select_n3A, %add3A_36] : memref<4x2048xi32, #tpu.memory_space<hbm>> -> memref<1x16xi32, #tpu.memory_space<hbm>>
    %dma_start3A_46 = tpu.memref_squeeze %dma_start3A_45 : memref<1x16xi32, #tpu.memory_space<hbm>> -> memref<16xi32, #tpu.memory_space<hbm>>
    tpu.enqueue_dma source(%dma_start3A_46 : memref<16xi32, #tpu.memory_space<hbm>>) target(%dma_start3A_44 : memref<16xi32, #tpu.memory_space<vmem>>) target_semaphore(%arg12 : memref<!tpu.dma_semaphore, #tpu.memory_space<semaphore_mem>>)
    %add3A_47 = arith.constant 16 : i32
    %add3A_48 = arith.addi %mul3A_34, %add3A_47 : i32
    %dma_start3A_49 = arith.constant 1 : i32
    %dma_start3A_50 = arith.constant 0 : i32
    %dma_start3A_51 = tpu.memref_slice %arg5[%dma_start3A_49, %dma_start3A_50] : memref<16x16xi32, #tpu.memory_space<vmem>> -> memref<1x16xi32, #tpu.memory_space<vmem>>
    %dma_start3A_52 = tpu.memref_squeeze %dma_start3A_51 : memref<1x16xi32, #tpu.memory_space<vmem>> -> memref<16xi32, #tpu.memory_space<vmem>>
    %dma_start3A_53 = tpu.memref_slice %arg2[%select_n3A, %add3A_48] : memref<4x2048xi32, #tpu.memory_space<hbm>> -> memref<1x16xi32, #tpu.memory_space<hbm>>
    %dma_start3A_54 = tpu.memref_squeeze %dma_start3A_53 : memref<1x16xi32, #tpu.memory_space<hbm>> -> memref<16xi32, #tpu.memory_space<hbm>>
    %dma_start3A_55 = arith.constant 0 : i32
    %dma_start3A_56 = tpu.memref_slice %arg5[%dma_start3A_49, %dma_start3A_55] : memref<16x16xi32, #tpu.memory_space<vmem>> -> memref<1x16xi32, #tpu.memory_space<vmem>>
    %dma_start3A_57 = tpu.memref_squeeze %dma_start3A_56 : memref<1x16xi32, #tpu.memory_space<vmem>> -> memref<16xi32, #tpu.memory_space<vmem>>
    %dma_start3A_58 = tpu.memref_slice %arg2[%select_n3A, %add3A_48] : memref<4x2048xi32, #tpu.memory_space<hbm>> -> memref<1x16xi32, #tpu.memory_space<hbm>>
    %dma_start3A_59 = tpu.memref_squeeze %dma_start3A_58 : memref<1x16xi32, #tpu.memory_space<hbm>> -> memref<16xi32, #tpu.memory_space<hbm>>
    tpu.enqueue_dma source(%dma_start3A_59 : memref<16xi32, #tpu.memory_space<hbm>>) target(%dma_start3A_57 : memref<16xi32, #tpu.memory_space<vmem>>) target_semaphore(%arg12 : memref<!tpu.dma_semaphore, #tpu.memory_space<semaphore_mem>>)
    %add3A_60 = arith.constant 32 : i32
    %add3A_61 = arith.addi %mul3A_34, %add3A_60 : i32
    %dma_start3A_62 = arith.constant 2 : i32
    %dma_start3A_63 = arith.constant 0 : i32
    %dma_start3A_64 = tpu.memref_slice %arg5[%dma_start3A_62, %dma_start3A_63] : memref<16x16xi32, #tpu.memory_space<vmem>> -> memref<1x16xi32, #tpu.memory_space<vmem>>
    %dma_start3A_65 = tpu.memref_squeeze %dma_start3A_64 : memref<1x16xi32, #tpu.memory_space<vmem>> -> memref<16xi32, #tpu.memory_space<vmem>>
    %dma_start3A_66 = tpu.memref_slice %arg2[%select_n3A, %add3A_61] : memref<4x2048xi32, #tpu.memory_space<hbm>> -> memref<1x16xi32, #tpu.memory_space<hbm>>
    %dma_start3A_67 = tpu.memref_squeeze %dma_start3A_66 : memref<1x16xi32, #tpu.memory_space<hbm>> -> memref<16xi32, #tpu.memory_space<hbm>>
    %dma_start3A_68 = arith.constant 0 : i32
    %dma_start3A_69 = tpu.memref_slice %arg5[%dma_start3A_62, %dma_start3A_68] : memref<16x16xi32, #tpu.memory_space<vmem>> -> memref<1x16xi32, #tpu.memory_space<vmem>>
    %dma_start3A_70 = tpu.memref_squeeze %dma_start3A_69 : memref<1x16xi32, #tpu.memory_space<vmem>> -> memref<16xi32, #tpu.memory_space<vmem>>
    %dma_start3A_71 = tpu.memref_slice %arg2[%select_n3A, %add3A_61] : memref<4x2048xi32, #tpu.memory_space<hbm>> -> memref<1x16xi32, #tpu.memory_space<hbm>>
    %dma_start3A_72 = tpu.memref_squeeze %dma_start3A_71 : memref<1x16xi32, #tpu.memory_space<hbm>> -> memref<16xi32, #tpu.memory_space<hbm>>
    tpu.enqueue_dma source(%dma_start3A_72 : memref<16xi32, #tpu.memory_space<hbm>>) target(%dma_start3A_70 : memref<16xi32, #tpu.memory_space<vmem>>) target_semaphore(%arg12 : memref<!tpu.dma_semaphore, #tpu.memory_space<semaphore_mem>>)
    %add3A_73 = arith.constant 48 : i32
    %add3A_74 = arith.addi %mul3A_34, %add3A_73 : i32
    %dma_start3A_75 = arith.constant 3 : i32
    %dma_start3A_76 = arith.constant 0 : i32
    %dma_start3A_77 = tpu.memref_slice %arg5[%dma_start3A_75, %dma_start3A_76] : memref<16x16xi32, #tpu.memory_space<vmem>> -> memref<1x16xi32, #tpu.memory_space<vmem>>
    %dma_start3A_78 = tpu.memref_squeeze %dma_start3A_77 : memref<1x16xi32, #tpu.memory_space<vmem>> -> memref<16xi32, #tpu.memory_space<vmem>>
    %dma_start3A_79 = tpu.memref_slice %arg2[%select_n3A, %add3A_74] : memref<4x2048xi32, #tpu.memory_space<hbm>> -> memref<1x16xi32, #tpu.memory_space<hbm>>
    %dma_start3A_80 = tpu.memref_squeeze %dma_start3A_79 : memref<1x16xi32, #tpu.memory_space<hbm>> -> memref<16xi32, #tpu.memory_space<hbm>>
    %dma_start3A_81 = arith.constant 0 : i32
    %dma_start3A_82 = tpu.memref_slice %arg5[%dma_start3A_75, %dma_start3A_81] : memref<16x16xi32, #tpu.memory_space<vmem>> -> memref<1x16xi32, #tpu.memory_space<vmem>>
    %dma_start3A_83 = tpu.memref_squeeze %dma_start3A_82 : memref<1x16xi32, #tpu.memory_space<vmem>> -> memref<16xi32, #tpu.memory_space<vmem>>
    %dma_start3A_84 = tpu.memref_slice %arg2[%select_n3A, %add3A_74] : memref<4x2048xi32, #tpu.memory_space<hbm>> -> memref<1x16xi32, #tpu.memory_space<hbm>>
    %dma_start3A_85 = tpu.memref_squeeze %dma_start3A_84 : memref<1x16xi32, #tpu.memory_space<hbm>> -> memref<16xi32, #tpu.memory_space<hbm>>
    tpu.enqueue_dma source(%dma_start3A_85 : memref<16xi32, #tpu.memory_space<hbm>>) target(%dma_start3A_83 : memref<16xi32, #tpu.memory_space<vmem>>) target_semaphore(%arg12 : memref<!tpu.dma_semaphore, #tpu.memory_space<semaphore_mem>>)
    %add3A_86 = arith.constant 64 : i32
    %add3A_87 = arith.addi %mul3A_34, %add3A_86 : i32
    %dma_start3A_88 = arith.constant 4 : i32
    %dma_start3A_89 = arith.constant 0 : i32
    %dma_start3A_90 = tpu.memref_slice %arg5[%dma_start3A_88, %dma_start3A_89] : memref<16x16xi32, #tpu.memory_space<vmem>> -> memref<1x16xi32, #tpu.memory_space<vmem>>
    %dma_start3A_91 = tpu.memref_squeeze %dma_start3A_90 : memref<1x16xi32, #tpu.memory_space<vmem>> -> memref<16xi32, #tpu.memory_space<vmem>>
    %dma_start3A_92 = tpu.memref_slice %arg2[%select_n3A, %add3A_87] : memref<4x2048xi32, #tpu.memory_space<hbm>> -> memref<1x16xi32, #tpu.memory_space<hbm>>
    %dma_start3A_93 = tpu.memref_squeeze %dma_start3A_92 : memref<1x16xi32, #tpu.memory_space<hbm>> -> memref<16xi32, #tpu.memory_space<hbm>>
    %dma_start3A_94 = arith.constant 0 : i32
    %dma_start3A_95 = tpu.memref_slice %arg5[%dma_start3A_88, %dma_start3A_94] : memref<16x16xi32, #tpu.memory_space<vmem>> -> memref<1x16xi32, #tpu.memory_space<vmem>>
    %dma_start3A_96 = tpu.memref_squeeze %dma_start3A_95 : memref<1x16xi32, #tpu.memory_space<vmem>> -> memref<16xi32, #tpu.memory_space<vmem>>
    %dma_start3A_97 = tpu.memref_slice %arg2[%select_n3A, %add3A_87] : memref<4x2048xi32, #tpu.memory_space<hbm>> -> memref<1x16xi32, #tpu.memory_space<hbm>>
    %dma_start3A_98 = tpu.memref_squeeze %dma_start3A_97 : memref<1x16xi32, #tpu.memory_space<hbm>> -> memref<16xi32, #tpu.memory_space<hbm>>
    tpu.enqueue_dma source(%dma_start3A_98 : memref<16xi32, #tpu.memory_space<hbm>>) target(%dma_start3A_96 : memref<16xi32, #tpu.memory_space<vmem>>) target_semaphore(%arg12 : memref<!tpu.dma_semaphore, #tpu.memory_space<semaphore_mem>>)
    %add3A_99 = arith.constant 80 : i32
    %add3A_100 = arith.addi %mul3A_34, %add3A_99 : i32
    %dma_start3A_101 = arith.constant 5 : i32
    %dma_start3A_102 = arith.constant 0 : i32
    %dma_start3A_103 = tpu.memref_slice %arg5[%dma_start3A_101, %dma_start3A_102] : memref<16x16xi32, #tpu.memory_space<vmem>> -> memref<1x16xi32, #tpu.memory_space<vmem>>
    %dma_start3A_104 = tpu.memref_squeeze %dma_start3A_103 : memref<1x16xi32, #tpu.memory_space<vmem>> -> memref<16xi32, #tpu.memory_space<vmem>>
    %dma_start3A_105 = tpu.memref_slice %arg2[%select_n3A, %add3A_100] : memref<4x2048xi32, #tpu.memory_space<hbm>> -> memref<1x16xi32, #tpu.memory_space<hbm>>
    %dma_start3A_106 = tpu.memref_squeeze %dma_start3A_105 : memref<1x16xi32, #tpu.memory_space<hbm>> -> memref<16xi32, #tpu.memory_space<hbm>>
    %dma_start3A_107 = arith.constant 0 : i32
    %dma_start3A_108 = tpu.memref_slice %arg5[%dma_start3A_101, %dma_start3A_107] : memref<16x16xi32, #tpu.memory_space<vmem>> -> memref<1x16xi32, #tpu.memory_space<vmem>>
    %dma_start3A_109 = tpu.memref_squeeze %dma_start3A_108 : memref<1x16xi32, #tpu.memory_space<vmem>> -> memref<16xi32, #tpu.memory_space<vmem>>
    %dma_start3A_110 = tpu.memref_slice %arg2[%select_n3A, %add3A_100] : memref<4x2048xi32, #tpu.memory_space<hbm>> -> memref<1x16xi32, #tpu.memory_space<hbm>>
    %dma_start3A_111 = tpu.memref_squeeze %dma_start3A_110 : memref<1x16xi32, #tpu.memory_space<hbm>> -> memref<16xi32, #tpu.memory_space<hbm>>
    tpu.enqueue_dma source(%dma_start3A_111 : memref<16xi32, #tpu.memory_space<hbm>>) target(%dma_start3A_109 : memref<16xi32, #tpu.memory_space<vmem>>) target_semaphore(%arg12 : memref<!tpu.dma_semaphore, #tpu.memory_space<semaphore_mem>>)
    %add3A_112 = arith.constant 96 : i32
    %add3A_113 = arith.addi %mul3A_34, %add3A_112 : i32
    %dma_start3A_114 = arith.constant 6 : i32
    %dma_start3A_115 = arith.constant 0 : i32
    %dma_start3A_116 = tpu.memref_slice %arg5[%dma_start3A_114, %dma_start3A_115] : memref<16x16xi32, #tpu.memory_space<vmem>> -> memref<1x16xi32, #tpu.memory_space<vmem>>
    %dma_start3A_117 = tpu.memref_squeeze %dma_start3A_116 : memref<1x16xi32, #tpu.memory_space<vmem>> -> memref<16xi32, #tpu.memory_space<vmem>>
    %dma_start3A_118 = tpu.memref_slice %arg2[%select_n3A, %add3A_113] : memref<4x2048xi32, #tpu.memory_space<hbm>> -> memref<1x16xi32, #tpu.memory_space<hbm>>
    %dma_start3A_119 = tpu.memref_squeeze %dma_start3A_118 : memref<1x16xi32, #tpu.memory_space<hbm>> -> memref<16xi32, #tpu.memory_space<hbm>>
    %dma_start3A_120 = arith.constant 0 : i32
    %dma_start3A_121 = tpu.memref_slice %arg5[%dma_start3A_114, %dma_start3A_120] : memref<16x16xi32, #tpu.memory_space<vmem>> -> memref<1x16xi32, #tpu.memory_space<vmem>>
    %dma_start3A_122 = tpu.memref_squeeze %dma_start3A_121 : memref<1x16xi32, #tpu.memory_space<vmem>> -> memref<16xi32, #tpu.memory_space<vmem>>
    %dma_start3A_123 = tpu.memref_slice %arg2[%select_n3A, %add3A_113] : memref<4x2048xi32, #tpu.memory_space<hbm>> -> memref<1x16xi32, #tpu.memory_space<hbm>>
    %dma_start3A_124 = tpu.memref_squeeze %dma_start3A_123 : memref<1x16xi32, #tpu.memory_space<hbm>> -> memref<16xi32, #tpu.memory_space<hbm>>
    tpu.enqueue_dma source(%dma_start3A_124 : memref<16xi32, #tpu.memory_space<hbm>>) target(%dma_start3A_122 : memref<16xi32, #tpu.memory_space<vmem>>) target_semaphore(%arg12 : memref<!tpu.dma_semaphore, #tpu.memory_space<semaphore_mem>>)
    %add3A_125 = arith.constant 112 : i32
    %add3A_126 = arith.addi %mul3A_34, %add3A_125 : i32
    %dma_start3A_127 = arith.constant 7 : i32
    %dma_start3A_128 = arith.constant 0 : i32
    %dma_start3A_129 = tpu.memref_slice %arg5[%dma_start3A_127, %dma_start3A_128] : memref<16x16xi32, #tpu.memory_space<vmem>> -> memref<1x16xi32, #tpu.memory_space<vmem>>
    %dma_start3A_130 = tpu.memref_squeeze %dma_start3A_129 : memref<1x16xi32, #tpu.memory_space<vmem>> -> memref<16xi32, #tpu.memory_space<vmem>>
    %dma_start3A_131 = tpu.memref_slice %arg2[%select_n3A, %add3A_126] : memref<4x2048xi32, #tpu.memory_space<hbm>> -> memref<1x16xi32, #tpu.memory_space<hbm>>
    %dma_start3A_132 = tpu.memref_squeeze %dma_start3A_131 : memref<1x16xi32, #tpu.memory_space<hbm>> -> memref<16xi32, #tpu.memory_space<hbm>>
    %dma_start3A_133 = arith.constant 0 : i32
    %dma_start3A_134 = tpu.memref_slice %arg5[%dma_start3A_127, %dma_start3A_133] : memref<16x16xi32, #tpu.memory_space<vmem>> -> memref<1x16xi32, #tpu.memory_space<vmem>>
    %dma_start3A_135 = tpu.memref_squeeze %dma_start3A_134 : memref<1x16xi32, #tpu.memory_space<vmem>> -> memref<16xi32, #tpu.memory_space<vmem>>
    %dma_start3A_136 = tpu.memref_slice %arg2[%select_n3A, %add3A_126] : memref<4x2048xi32, #tpu.memory_space<hbm>> -> memref<1x16xi32, #tpu.memory_space<hbm>>
    %dma_start3A_137 = tpu.memref_squeeze %dma_start3A_136 : memref<1x16xi32, #tpu.memory_space<hbm>> -> memref<16xi32, #tpu.memory_space<hbm>>
    tpu.enqueue_dma source(%dma_start3A_137 : memref<16xi32, #tpu.memory_space<hbm>>) target(%dma_start3A_135 : memref<16xi32, #tpu.memory_space<vmem>>) target_semaphore(%arg12 : memref<!tpu.dma_semaphore, #tpu.memory_space<semaphore_mem>>)
    %add3A_138 = arith.constant 128 : i32
    %add3A_139 = arith.addi %mul3A_34, %add3A_138 : i32
    %dma_start3A_140 = arith.constant 8 : i32
    %dma_start3A_141 = arith.constant 0 : i32
    %dma_start3A_142 = tpu.memref_slice %arg5[%dma_start3A_140, %dma_start3A_141] : memref<16x16xi32, #tpu.memory_space<vmem>> -> memref<1x16xi32, #tpu.memory_space<vmem>>
    %dma_start3A_143 = tpu.memref_squeeze %dma_start3A_142 : memref<1x16xi32, #tpu.memory_space<vmem>> -> memref<16xi32, #tpu.memory_space<vmem>>
    %dma_start3A_144 = tpu.memref_slice %arg2[%select_n3A, %add3A_139] : memref<4x2048xi32, #tpu.memory_space<hbm>> -> memref<1x16xi32, #tpu.memory_space<hbm>>
    %dma_start3A_145 = tpu.memref_squeeze %dma_start3A_144 : memref<1x16xi32, #tpu.memory_space<hbm>> -> memref<16xi32, #tpu.memory_space<hbm>>
    %dma_start3A_146 = arith.constant 0 : i32
    %dma_start3A_147 = tpu.memref_slice %arg5[%dma_start3A_140, %dma_start3A_146] : memref<16x16xi32, #tpu.memory_space<vmem>> -> memref<1x16xi32, #tpu.memory_space<vmem>>
    %dma_start3A_148 = tpu.memref_squeeze %dma_start3A_147 : memref<1x16xi32, #tpu.memory_space<vmem>> -> memref<16xi32, #tpu.memory_space<vmem>>
    %dma_start3A_149 = tpu.memref_slice %arg2[%select_n3A, %add3A_139] : memref<4x2048xi32, #tpu.memory_space<hbm>> -> memref<1x16xi32, #tpu.memory_space<hbm>>
    %dma_start3A_150 = tpu.memref_squeeze %dma_start3A_149 : memref<1x16xi32, #tpu.memory_space<hbm>> -> memref<16xi32, #tpu.memory_space<hbm>>
    tpu.enqueue_dma source(%dma_start3A_150 : memref<16xi32, #tpu.memory_space<hbm>>) target(%dma_start3A_148 : memref<16xi32, #tpu.memory_space<vmem>>) target_semaphore(%arg12 : memref<!tpu.dma_semaphore, #tpu.memory_space<semaphore_mem>>)
    %add3A_151 = arith.constant 144 : i32
    %add3A_152 = arith.addi %mul3A_34, %add3A_151 : i32
    %dma_start3A_153 = arith.constant 9 : i32
    %dma_start3A_154 = arith.constant 0 : i32
    %dma_start3A_155 = tpu.memref_slice %arg5[%dma_start3A_153, %dma_start3A_154] : memref<16x16xi32, #tpu.memory_space<vmem>> -> memref<1x16xi32, #tpu.memory_space<vmem>>
    %dma_start3A_156 = tpu.memref_squeeze %dma_start3A_155 : memref<1x16xi32, #tpu.memory_space<vmem>> -> memref<16xi32, #tpu.memory_space<vmem>>
    %dma_start3A_157 = tpu.memref_slice %arg2[%select_n3A, %add3A_152] : memref<4x2048xi32, #tpu.memory_space<hbm>> -> memref<1x16xi32, #tpu.memory_space<hbm>>
    %dma_start3A_158 = tpu.memref_squeeze %dma_start3A_157 : memref<1x16xi32, #tpu.memory_space<hbm>> -> memref<16xi32, #tpu.memory_space<hbm>>
    %dma_start3A_159 = arith.constant 0 : i32
    %dma_start3A_160 = tpu.memref_slice %arg5[%dma_start3A_153, %dma_start3A_159] : memref<16x16xi32, #tpu.memory_space<vmem>> -> memref<1x16xi32, #tpu.memory_space<vmem>>
    %dma_start3A_161 = tpu.memref_squeeze %dma_start3A_160 : memref<1x16xi32, #tpu.memory_space<vmem>> -> memref<16xi32, #tpu.memory_space<vmem>>
    %dma_start3A_162 = tpu.memref_slice %arg2[%select_n3A, %add3A_152] : memref<4x2048xi32, #tpu.memory_space<hbm>> -> memref<1x16xi32, #tpu.memory_space<hbm>>
    %dma_start3A_163 = tpu.memref_squeeze %dma_start3A_162 : memref<1x16xi32, #tpu.memory_space<hbm>> -> memref<16xi32, #tpu.memory_space<hbm>>
    tpu.enqueue_dma source(%dma_start3A_163 : memref<16xi32, #tpu.memory_space<hbm>>) target(%dma_start3A_161 : memref<16xi32, #tpu.memory_space<vmem>>) target_semaphore(%arg12 : memref<!tpu.dma_semaphore, #tpu.memory_space<semaphore_mem>>)
    %add3A_164 = arith.constant 160 : i32
    %add3A_165 = arith.addi %mul3A_34, %add3A_164 : i32
    %dma_start3A_166 = arith.constant 10 : i32
    %dma_start3A_167 = arith.constant 0 : i32
    %dma_start3A_168 = tpu.memref_slice %arg5[%dma_start3A_166, %dma_start3A_167] : memref<16x16xi32, #tpu.memory_space<vmem>> -> memref<1x16xi32, #tpu.memory_space<vmem>>
    %dma_start3A_169 = tpu.memref_squeeze %dma_start3A_168 : memref<1x16xi32, #tpu.memory_space<vmem>> -> memref<16xi32, #tpu.memory_space<vmem>>
    %dma_start3A_170 = tpu.memref_slice %arg2[%select_n3A, %add3A_165] : memref<4x2048xi32, #tpu.memory_space<hbm>> -> memref<1x16xi32, #tpu.memory_space<hbm>>
    %dma_start3A_171 = tpu.memref_squeeze %dma_start3A_170 : memref<1x16xi32, #tpu.memory_space<hbm>> -> memref<16xi32, #tpu.memory_space<hbm>>
    %dma_start3A_172 = arith.constant 0 : i32
    %dma_start3A_173 = tpu.memref_slice %arg5[%dma_start3A_166, %dma_start3A_172] : memref<16x16xi32, #tpu.memory_space<vmem>> -> memref<1x16xi32, #tpu.memory_space<vmem>>
    %dma_start3A_174 = tpu.memref_squeeze %dma_start3A_173 : memref<1x16xi32, #tpu.memory_space<vmem>> -> memref<16xi32, #tpu.memory_space<vmem>>
    %dma_start3A_175 = tpu.memref_slice %arg2[%select_n3A, %add3A_165] : memref<4x2048xi32, #tpu.memory_space<hbm>> -> memref<1x16xi32, #tpu.memory_space<hbm>>
    %dma_start3A_176 = tpu.memref_squeeze %dma_start3A_175 : memref<1x16xi32, #tpu.memory_space<hbm>> -> memref<16xi32, #tpu.memory_space<hbm>>
    tpu.enqueue_dma source(%dma_start3A_176 : memref<16xi32, #tpu.memory_space<hbm>>) target(%dma_start3A_174 : memref<16xi32, #tpu.memory_space<vmem>>) target_semaphore(%arg12 : memref<!tpu.dma_semaphore, #tpu.memory_space<semaphore_mem>>)
    %add3A_177 = arith.constant 176 : i32
    %add3A_178 = arith.addi %mul3A_34, %add3A_177 : i32
    %dma_start3A_179 = arith.constant 11 : i32
    %dma_start3A_180 = arith.constant 0 : i32
    %dma_start3A_181 = tpu.memref_slice %arg5[%dma_start3A_179, %dma_start3A_180] : memref<16x16xi32, #tpu.memory_space<vmem>> -> memref<1x16xi32, #tpu.memory_space<vmem>>
    %dma_start3A_182 = tpu.memref_squeeze %dma_start3A_181 : memref<1x16xi32, #tpu.memory_space<vmem>> -> memref<16xi32, #tpu.memory_space<vmem>>
    %dma_start3A_183 = tpu.memref_slice %arg2[%select_n3A, %add3A_178] : memref<4x2048xi32, #tpu.memory_space<hbm>> -> memref<1x16xi32, #tpu.memory_space<hbm>>
    %dma_start3A_184 = tpu.memref_squeeze %dma_start3A_183 : memref<1x16xi32, #tpu.memory_space<hbm>> -> memref<16xi32, #tpu.memory_space<hbm>>
    %dma_start3A_185 = arith.constant 0 : i32
    %dma_start3A_186 = tpu.memref_slice %arg5[%dma_start3A_179, %dma_start3A_185] : memref<16x16xi32, #tpu.memory_space<vmem>> -> memref<1x16xi32, #tpu.memory_space<vmem>>
    %dma_start3A_187 = tpu.memref_squeeze %dma_start3A_186 : memref<1x16xi32, #tpu.memory_space<vmem>> -> memref<16xi32, #tpu.memory_space<vmem>>
    %dma_start3A_188 = tpu.memref_slice %arg2[%select_n3A, %add3A_178] : memref<4x2048xi32, #tpu.memory_space<hbm>> -> memref<1x16xi32, #tpu.memory_space<hbm>>
    %dma_start3A_189 = tpu.memref_squeeze %dma_start3A_188 : memref<1x16xi32, #tpu.memory_space<hbm>> -> memref<16xi32, #tpu.memory_space<hbm>>
    tpu.enqueue_dma source(%dma_start3A_189 : memref<16xi32, #tpu.memory_space<hbm>>) target(%dma_start3A_187 : memref<16xi32, #tpu.memory_space<vmem>>) target_semaphore(%arg12 : memref<!tpu.dma_semaphore, #tpu.memory_space<semaphore_mem>>)
    %add3A_190 = arith.constant 192 : i32
    %add3A_191 = arith.addi %mul3A_34, %add3A_190 : i32
    %dma_start3A_192 = arith.constant 12 : i32
    %dma_start3A_193 = arith.constant 0 : i32
    %dma_start3A_194 = tpu.memref_slice %arg5[%dma_start3A_192, %dma_start3A_193] : memref<16x16xi32, #tpu.memory_space<vmem>> -> memref<1x16xi32, #tpu.memory_space<vmem>>
    %dma_start3A_195 = tpu.memref_squeeze %dma_start3A_194 : memref<1x16xi32, #tpu.memory_space<vmem>> -> memref<16xi32, #tpu.memory_space<vmem>>
    %dma_start3A_196 = tpu.memref_slice %arg2[%select_n3A, %add3A_191] : memref<4x2048xi32, #tpu.memory_space<hbm>> -> memref<1x16xi32, #tpu.memory_space<hbm>>
    %dma_start3A_197 = tpu.memref_squeeze %dma_start3A_196 : memref<1x16xi32, #tpu.memory_space<hbm>> -> memref<16xi32, #tpu.memory_space<hbm>>
    %dma_start3A_198 = arith.constant 0 : i32
    %dma_start3A_199 = tpu.memref_slice %arg5[%dma_start3A_192, %dma_start3A_198] : memref<16x16xi32, #tpu.memory_space<vmem>> -> memref<1x16xi32, #tpu.memory_space<vmem>>
    %dma_start3A_200 = tpu.memref_squeeze %dma_start3A_199 : memref<1x16xi32, #tpu.memory_space<vmem>> -> memref<16xi32, #tpu.memory_space<vmem>>
    %dma_start3A_201 = tpu.memref_slice %arg2[%select_n3A, %add3A_191] : memref<4x2048xi32, #tpu.memory_space<hbm>> -> memref<1x16xi32, #tpu.memory_space<hbm>>
    %dma_start3A_202 = tpu.memref_squeeze %dma_start3A_201 : memref<1x16xi32, #tpu.memory_space<hbm>> -> memref<16xi32, #tpu.memory_space<hbm>>
    tpu.enqueue_dma source(%dma_start3A_202 : memref<16xi32, #tpu.memory_space<hbm>>) target(%dma_start3A_200 : memref<16xi32, #tpu.memory_space<vmem>>) target_semaphore(%arg12 : memref<!tpu.dma_semaphore, #tpu.memory_space<semaphore_mem>>)
    %add3A_203 = arith.constant 208 : i32
    %add3A_204 = arith.addi %mul3A_34, %add3A_203 : i32
    %dma_start3A_205 = arith.constant 13 : i32
    %dma_start3A_206 = arith.constant 0 : i32
    %dma_start3A_207 = tpu.memref_slice %arg5[%dma_start3A_205, %dma_start3A_206] : memref<16x16xi32, #tpu.memory_space<vmem>> -> memref<1x16xi32, #tpu.memory_space<vmem>>
    %dma_start3A_208 = tpu.memref_squeeze %dma_start3A_207 : memref<1x16xi32, #tpu.memory_space<vmem>> -> memref<16xi32, #tpu.memory_space<vmem>>
    %dma_start3A_209 = tpu.memref_slice %arg2[%select_n3A, %add3A_204] : memref<4x2048xi32, #tpu.memory_space<hbm>> -> memref<1x16xi32, #tpu.memory_space<hbm>>
    %dma_start3A_210 = tpu.memref_squeeze %dma_start3A_209 : memref<1x16xi32, #tpu.memory_space<hbm>> -> memref<16xi32, #tpu.memory_space<hbm>>
    %dma_start3A_211 = arith.constant 0 : i32
    %dma_start3A_212 = tpu.memref_slice %arg5[%dma_start3A_205, %dma_start3A_211] : memref<16x16xi32, #tpu.memory_space<vmem>> -> memref<1x16xi32, #tpu.memory_space<vmem>>
    %dma_start3A_213 = tpu.memref_squeeze %dma_start3A_212 : memref<1x16xi32, #tpu.memory_space<vmem>> -> memref<16xi32, #tpu.memory_space<vmem>>
    %dma_start3A_214 = tpu.memref_slice %arg2[%select_n3A, %add3A_204] : memref<4x2048xi32, #tpu.memory_space<hbm>> -> memref<1x16xi32, #tpu.memory_space<hbm>>
    %dma_start3A_215 = tpu.memref_squeeze %dma_start3A_214 : memref<1x16xi32, #tpu.memory_space<hbm>> -> memref<16xi32, #tpu.memory_space<hbm>>
    tpu.enqueue_dma source(%dma_start3A_215 : memref<16xi32, #tpu.memory_space<hbm>>) target(%dma_start3A_213 : memref<16xi32, #tpu.memory_space<vmem>>) target_semaphore(%arg12 : memref<!tpu.dma_semaphore, #tpu.memory_space<semaphore_mem>>)
    %add3A_216 = arith.constant 224 : i32
    %add3A_217 = arith.addi %mul3A_34, %add3A_216 : i32
    %dma_start3A_218 = arith.constant 14 : i32
    %dma_start3A_219 = arith.constant 0 : i32
    %dma_start3A_220 = tpu.memref_slice %arg5[%dma_start3A_218, %dma_start3A_219] : memref<16x16xi32, #tpu.memory_space<vmem>> -> memref<1x16xi32, #tpu.memory_space<vmem>>
    %dma_start3A_221 = tpu.memref_squeeze %dma_start3A_220 : memref<1x16xi32, #tpu.memory_space<vmem>> -> memref<16xi32, #tpu.memory_space<vmem>>
    %dma_start3A_222 = tpu.memref_slice %arg2[%select_n3A, %add3A_217] : memref<4x2048xi32, #tpu.memory_space<hbm>> -> memref<1x16xi32, #tpu.memory_space<hbm>>
    %dma_start3A_223 = tpu.memref_squeeze %dma_start3A_222 : memref<1x16xi32, #tpu.memory_space<hbm>> -> memref<16xi32, #tpu.memory_space<hbm>>
    %dma_start3A_224 = arith.constant 0 : i32
    %dma_start3A_225 = tpu.memref_slice %arg5[%dma_start3A_218, %dma_start3A_224] : memref<16x16xi32, #tpu.memory_space<vmem>> -> memref<1x16xi32, #tpu.memory_space<vmem>>
    %dma_start3A_226 = tpu.memref_squeeze %dma_start3A_225 : memref<1x16xi32, #tpu.memory_space<vmem>> -> memref<16xi32, #tpu.memory_space<vmem>>
    %dma_start3A_227 = tpu.memref_slice %arg2[%select_n3A, %add3A_217] : memref<4x2048xi32, #tpu.memory_space<hbm>> -> memref<1x16xi32, #tpu.memory_space<hbm>>
    %dma_start3A_228 = tpu.memref_squeeze %dma_start3A_227 : memref<1x16xi32, #tpu.memory_space<hbm>> -> memref<16xi32, #tpu.memory_space<hbm>>
    tpu.enqueue_dma source(%dma_start3A_228 : memref<16xi32, #tpu.memory_space<hbm>>) target(%dma_start3A_226 : memref<16xi32, #tpu.memory_space<vmem>>) target_semaphore(%arg12 : memref<!tpu.dma_semaphore, #tpu.memory_space<semaphore_mem>>)
    %add3A_229 = arith.constant 240 : i32
    %add3A_230 = arith.addi %mul3A_34, %add3A_229 : i32
    %dma_start3A_231 = arith.constant 15 : i32
    %dma_start3A_232 = arith.constant 0 : i32
    %dma_start3A_233 = tpu.memref_slice %arg5[%dma_start3A_231, %dma_start3A_232] : memref<16x16xi32, #tpu.memory_space<vmem>> -> memref<1x16xi32, #tpu.memory_space<vmem>>
    %dma_start3A_234 = tpu.memref_squeeze %dma_start3A_233 : memref<1x16xi32, #tpu.memory_space<vmem>> -> memref<16xi32, #tpu.memory_space<vmem>>
    %dma_start3A_235 = tpu.memref_slice %arg2[%select_n3A, %add3A_230] : memref<4x2048xi32, #tpu.memory_space<hbm>> -> memref<1x16xi32, #tpu.memory_space<hbm>>
    %dma_start3A_236 = tpu.memref_squeeze %dma_start3A_235 : memref<1x16xi32, #tpu.memory_space<hbm>> -> memref<16xi32, #tpu.memory_space<hbm>>
    %dma_start3A_237 = arith.constant 0 : i32
    %dma_start3A_238 = tpu.memref_slice %arg5[%dma_start3A_231, %dma_start3A_237] : memref<16x16xi32, #tpu.memory_space<vmem>> -> memref<1x16xi32, #tpu.memory_space<vmem>>
    %dma_start3A_239 = tpu.memref_squeeze %dma_start3A_238 : memref<1x16xi32, #tpu.memory_space<vmem>> -> memref<16xi32, #tpu.memory_space<vmem>>
    %dma_start3A_240 = tpu.memref_slice %arg2[%select_n3A, %add3A_230] : memref<4x2048xi32, #tpu.memory_space<hbm>> -> memref<1x16xi32, #tpu.memory_space<hbm>>
    %dma_start3A_241 = tpu.memref_squeeze %dma_start3A_240 : memref<1x16xi32, #tpu.memory_space<hbm>> -> memref<16xi32, #tpu.memory_space<hbm>>
    tpu.enqueue_dma source(%dma_start3A_241 : memref<16xi32, #tpu.memory_space<hbm>>) target(%dma_start3A_239 : memref<16xi32, #tpu.memory_space<vmem>>) target_semaphore(%arg12 : memref<!tpu.dma_semaphore, #tpu.memory_space<semaphore_mem>>)
    %dma_wait3A = arith.constant 0 : i32
    %dma_wait3A_242 = arith.constant 0 : i32
    %dma_wait3A_243 = tpu.memref_slice %arg5[%dma_wait3A, %dma_wait3A_242] : memref<16x16xi32, #tpu.memory_space<vmem>> -> memref<1x16xi32, #tpu.memory_space<vmem>>
    %dma_wait3A_244 = tpu.memref_squeeze %dma_wait3A_243 : memref<1x16xi32, #tpu.memory_space<vmem>> -> memref<16xi32, #tpu.memory_space<vmem>>
    %dma_wait3A_245 = tpu.memref_slice %arg2[%select_n3A, %add3A_36] : memref<4x2048xi32, #tpu.memory_space<hbm>> -> memref<1x16xi32, #tpu.memory_space<hbm>>
    %dma_wait3A_246 = tpu.memref_squeeze %dma_wait3A_245 : memref<1x16xi32, #tpu.memory_space<hbm>> -> memref<16xi32, #tpu.memory_space<hbm>>
    %dma_wait3A_247 = arith.constant 0 : i32
    %dma_wait3A_248 = tpu.memref_slice %arg5[%dma_wait3A, %dma_wait3A_247] : memref<16x16xi32, #tpu.memory_space<vmem>> -> memref<1x16xi32, #tpu.memory_space<vmem>>
    %dma_wait3A_249 = tpu.memref_squeeze %dma_wait3A_248 : memref<1x16xi32, #tpu.memory_space<vmem>> -> memref<16xi32, #tpu.memory_space<vmem>>
    %dma_wait3A_250 = tpu.memref_slice %arg2[%select_n3A, %add3A_36] : memref<4x2048xi32, #tpu.memory_space<hbm>> -> memref<1x16xi32, #tpu.memory_space<hbm>>
    %dma_wait3A_251 = tpu.memref_squeeze %dma_wait3A_250 : memref<1x16xi32, #tpu.memory_space<hbm>> -> memref<16xi32, #tpu.memory_space<hbm>>
    tpu.wait_dma2 semaphore(%arg12 : memref<!tpu.dma_semaphore, #tpu.memory_space<semaphore_mem>>) src(%dma_wait3A_251 : memref<16xi32, #tpu.memory_space<hbm>>) dst(%dma_wait3A_249 : memref<16xi32, #tpu.memory_space<vmem>>)
    %dma_wait3A_252 = arith.constant 1 : i32
    %dma_wait3A_253 = arith.constant 0 : i32
    %dma_wait3A_254 = tpu.memref_slice %arg5[%dma_wait3A_252, %dma_wait3A_253] : memref<16x16xi32, #tpu.memory_space<vmem>> -> memref<1x16xi32, #tpu.memory_space<vmem>>
    %dma_wait3A_255 = tpu.memref_squeeze %dma_wait3A_254 : memref<1x16xi32, #tpu.memory_space<vmem>> -> memref<16xi32, #tpu.memory_space<vmem>>
    %dma_wait3A_256 = tpu.memref_slice %arg2[%select_n3A, %add3A_48] : memref<4x2048xi32, #tpu.memory_space<hbm>> -> memref<1x16xi32, #tpu.memory_space<hbm>>
    %dma_wait3A_257 = tpu.memref_squeeze %dma_wait3A_256 : memref<1x16xi32, #tpu.memory_space<hbm>> -> memref<16xi32, #tpu.memory_space<hbm>>
    %dma_wait3A_258 = arith.constant 0 : i32
    %dma_wait3A_259 = tpu.memref_slice %arg5[%dma_wait3A_252, %dma_wait3A_258] : memref<16x16xi32, #tpu.memory_space<vmem>> -> memref<1x16xi32, #tpu.memory_space<vmem>>
    %dma_wait3A_260 = tpu.memref_squeeze %dma_wait3A_259 : memref<1x16xi32, #tpu.memory_space<vmem>> -> memref<16xi32, #tpu.memory_space<vmem>>
    %dma_wait3A_261 = tpu.memref_slice %arg2[%select_n3A, %add3A_48] : memref<4x2048xi32, #tpu.memory_space<hbm>> -> memref<1x16xi32, #tpu.memory_space<hbm>>
    %dma_wait3A_262 = tpu.memref_squeeze %dma_wait3A_261 : memref<1x16xi32, #tpu.memory_space<hbm>> -> memref<16xi32, #tpu.memory_space<hbm>>
    tpu.wait_dma2 semaphore(%arg12 : memref<!tpu.dma_semaphore, #tpu.memory_space<semaphore_mem>>) src(%dma_wait3A_262 : memref<16xi32, #tpu.memory_space<hbm>>) dst(%dma_wait3A_260 : memref<16xi32, #tpu.memory_space<vmem>>)
    %dma_wait3A_263 = arith.constant 2 : i32
    %dma_wait3A_264 = arith.constant 0 : i32
    %dma_wait3A_265 = tpu.memref_slice %arg5[%dma_wait3A_263, %dma_wait3A_264] : memref<16x16xi32, #tpu.memory_space<vmem>> -> memref<1x16xi32, #tpu.memory_space<vmem>>
    %dma_wait3A_266 = tpu.memref_squeeze %dma_wait3A_265 : memref<1x16xi32, #tpu.memory_space<vmem>> -> memref<16xi32, #tpu.memory_space<vmem>>
    %dma_wait3A_267 = tpu.memref_slice %arg2[%select_n3A, %add3A_61] : memref<4x2048xi32, #tpu.memory_space<hbm>> -> memref<1x16xi32, #tpu.memory_space<hbm>>
    %dma_wait3A_268 = tpu.memref_squeeze %dma_wait3A_267 : memref<1x16xi32, #tpu.memory_space<hbm>> -> memref<16xi32, #tpu.memory_space<hbm>>
    %dma_wait3A_269 = arith.constant 0 : i32
    %dma_wait3A_270 = tpu.memref_slice %arg5[%dma_wait3A_263, %dma_wait3A_269] : memref<16x16xi32, #tpu.memory_space<vmem>> -> memref<1x16xi32, #tpu.memory_space<vmem>>
    %dma_wait3A_271 = tpu.memref_squeeze %dma_wait3A_270 : memref<1x16xi32, #tpu.memory_space<vmem>> -> memref<16xi32, #tpu.memory_space<vmem>>
    %dma_wait3A_272 = tpu.memref_slice %arg2[%select_n3A, %add3A_61] : memref<4x2048xi32, #tpu.memory_space<hbm>> -> memref<1x16xi32, #tpu.memory_space<hbm>>
    %dma_wait3A_273 = tpu.memref_squeeze %dma_wait3A_272 : memref<1x16xi32, #tpu.memory_space<hbm>> -> memref<16xi32, #tpu.memory_space<hbm>>
    tpu.wait_dma2 semaphore(%arg12 : memref<!tpu.dma_semaphore, #tpu.memory_space<semaphore_mem>>) src(%dma_wait3A_273 : memref<16xi32, #tpu.memory_space<hbm>>) dst(%dma_wait3A_271 : memref<16xi32, #tpu.memory_space<vmem>>)
    %dma_wait3A_274 = arith.constant 3 : i32
    %dma_wait3A_275 = arith.constant 0 : i32
    %dma_wait3A_276 = tpu.memref_slice %arg5[%dma_wait3A_274, %dma_wait3A_275] : memref<16x16xi32, #tpu.memory_space<vmem>> -> memref<1x16xi32, #tpu.memory_space<vmem>>
    %dma_wait3A_277 = tpu.memref_squeeze %dma_wait3A_276 : memref<1x16xi32, #tpu.memory_space<vmem>> -> memref<16xi32, #tpu.memory_space<vmem>>
    %dma_wait3A_278 = tpu.memref_slice %arg2[%select_n3A, %add3A_74] : memref<4x2048xi32, #tpu.memory_space<hbm>> -> memref<1x16xi32, #tpu.memory_space<hbm>>
    %dma_wait3A_279 = tpu.memref_squeeze %dma_wait3A_278 : memref<1x16xi32, #tpu.memory_space<hbm>> -> memref<16xi32, #tpu.memory_space<hbm>>
    %dma_wait3A_280 = arith.constant 0 : i32
    %dma_wait3A_281 = tpu.memref_slice %arg5[%dma_wait3A_274, %dma_wait3A_280] : memref<16x16xi32, #tpu.memory_space<vmem>> -> memref<1x16xi32, #tpu.memory_space<vmem>>
    %dma_wait3A_282 = tpu.memref_squeeze %dma_wait3A_281 : memref<1x16xi32, #tpu.memory_space<vmem>> -> memref<16xi32, #tpu.memory_space<vmem>>
    %dma_wait3A_283 = tpu.memref_slice %arg2[%select_n3A, %add3A_74] : memref<4x2048xi32, #tpu.memory_space<hbm>> -> memref<1x16xi32, #tpu.memory_space<hbm>>
    %dma_wait3A_284 = tpu.memref_squeeze %dma_wait3A_283 : memref<1x16xi32, #tpu.memory_space<hbm>> -> memref<16xi32, #tpu.memory_space<hbm>>
    tpu.wait_dma2 semaphore(%arg12 : memref<!tpu.dma_semaphore, #tpu.memory_space<semaphore_mem>>) src(%dma_wait3A_284 : memref<16xi32, #tpu.memory_space<hbm>>) dst(%dma_wait3A_282 : memref<16xi32, #tpu.memory_space<vmem>>)
    %dma_wait3A_285 = arith.constant 4 : i32
    %dma_wait3A_286 = arith.constant 0 : i32
    %dma_wait3A_287 = tpu.memref_slice %arg5[%dma_wait3A_285, %dma_wait3A_286] : memref<16x16xi32, #tpu.memory_space<vmem>> -> memref<1x16xi32, #tpu.memory_space<vmem>>
    %dma_wait3A_288 = tpu.memref_squeeze %dma_wait3A_287 : memref<1x16xi32, #tpu.memory_space<vmem>> -> memref<16xi32, #tpu.memory_space<vmem>>
    %dma_wait3A_289 = tpu.memref_slice %arg2[%select_n3A, %add3A_87] : memref<4x2048xi32, #tpu.memory_space<hbm>> -> memref<1x16xi32, #tpu.memory_space<hbm>>
    %dma_wait3A_290 = tpu.memref_squeeze %dma_wait3A_289 : memref<1x16xi32, #tpu.memory_space<hbm>> -> memref<16xi32, #tpu.memory_space<hbm>>
    %dma_wait3A_291 = arith.constant 0 : i32
    %dma_wait3A_292 = tpu.memref_slice %arg5[%dma_wait3A_285, %dma_wait3A_291] : memref<16x16xi32, #tpu.memory_space<vmem>> -> memref<1x16xi32, #tpu.memory_space<vmem>>
    %dma_wait3A_293 = tpu.memref_squeeze %dma_wait3A_292 : memref<1x16xi32, #tpu.memory_space<vmem>> -> memref<16xi32, #tpu.memory_space<vmem>>
    %dma_wait3A_294 = tpu.memref_slice %arg2[%select_n3A, %add3A_87] : memref<4x2048xi32, #tpu.memory_space<hbm>> -> memref<1x16xi32, #tpu.memory_space<hbm>>
    %dma_wait3A_295 = tpu.memref_squeeze %dma_wait3A_294 : memref<1x16xi32, #tpu.memory_space<hbm>> -> memref<16xi32, #tpu.memory_space<hbm>>
    tpu.wait_dma2 semaphore(%arg12 : memref<!tpu.dma_semaphore, #tpu.memory_space<semaphore_mem>>) src(%dma_wait3A_295 : memref<16xi32, #tpu.memory_space<hbm>>) dst(%dma_wait3A_293 : memref<16xi32, #tpu.memory_space<vmem>>)
    %dma_wait3A_296 = arith.constant 5 : i32
    %dma_wait3A_297 = arith.constant 0 : i32
    %dma_wait3A_298 = tpu.memref_slice %arg5[%dma_wait3A_296, %dma_wait3A_297] : memref<16x16xi32, #tpu.memory_space<vmem>> -> memref<1x16xi32, #tpu.memory_space<vmem>>
    %dma_wait3A_299 = tpu.memref_squeeze %dma_wait3A_298 : memref<1x16xi32, #tpu.memory_space<vmem>> -> memref<16xi32, #tpu.memory_space<vmem>>
    %dma_wait3A_300 = tpu.memref_slice %arg2[%select_n3A, %add3A_100] : memref<4x2048xi32, #tpu.memory_space<hbm>> -> memref<1x16xi32, #tpu.memory_space<hbm>>
    %dma_wait3A_301 = tpu.memref_squeeze %dma_wait3A_300 : memref<1x16xi32, #tpu.memory_space<hbm>> -> memref<16xi32, #tpu.memory_space<hbm>>
    %dma_wait3A_302 = arith.constant 0 : i32
    %dma_wait3A_303 = tpu.memref_slice %arg5[%dma_wait3A_296, %dma_wait3A_302] : memref<16x16xi32, #tpu.memory_space<vmem>> -> memref<1x16xi32, #tpu.memory_space<vmem>>
    %dma_wait3A_304 = tpu.memref_squeeze %dma_wait3A_303 : memref<1x16xi32, #tpu.memory_space<vmem>> -> memref<16xi32, #tpu.memory_space<vmem>>
    %dma_wait3A_305 = tpu.memref_slice %arg2[%select_n3A, %add3A_100] : memref<4x2048xi32, #tpu.memory_space<hbm>> -> memref<1x16xi32, #tpu.memory_space<hbm>>
    %dma_wait3A_306 = tpu.memref_squeeze %dma_wait3A_305 : memref<1x16xi32, #tpu.memory_space<hbm>> -> memref<16xi32, #tpu.memory_space<hbm>>
    tpu.wait_dma2 semaphore(%arg12 : memref<!tpu.dma_semaphore, #tpu.memory_space<semaphore_mem>>) src(%dma_wait3A_306 : memref<16xi32, #tpu.memory_space<hbm>>) dst(%dma_wait3A_304 : memref<16xi32, #tpu.memory_space<vmem>>)
    %dma_wait3A_307 = arith.constant 6 : i32
    %dma_wait3A_308 = arith.constant 0 : i32
    %dma_wait3A_309 = tpu.memref_slice %arg5[%dma_wait3A_307, %dma_wait3A_308] : memref<16x16xi32, #tpu.memory_space<vmem>> -> memref<1x16xi32, #tpu.memory_space<vmem>>
    %dma_wait3A_310 = tpu.memref_squeeze %dma_wait3A_309 : memref<1x16xi32, #tpu.memory_space<vmem>> -> memref<16xi32, #tpu.memory_space<vmem>>
    %dma_wait3A_311 = tpu.memref_slice %arg2[%select_n3A, %add3A_113] : memref<4x2048xi32, #tpu.memory_space<hbm>> -> memref<1x16xi32, #tpu.memory_space<hbm>>
    %dma_wait3A_312 = tpu.memref_squeeze %dma_wait3A_311 : memref<1x16xi32, #tpu.memory_space<hbm>> -> memref<16xi32, #tpu.memory_space<hbm>>
    %dma_wait3A_313 = arith.constant 0 : i32
    %dma_wait3A_314 = tpu.memref_slice %arg5[%dma_wait3A_307, %dma_wait3A_313] : memref<16x16xi32, #tpu.memory_space<vmem>> -> memref<1x16xi32, #tpu.memory_space<vmem>>
    %dma_wait3A_315 = tpu.memref_squeeze %dma_wait3A_314 : memref<1x16xi32, #tpu.memory_space<vmem>> -> memref<16xi32, #tpu.memory_space<vmem>>
    %dma_wait3A_316 = tpu.memref_slice %arg2[%select_n3A, %add3A_113] : memref<4x2048xi32, #tpu.memory_space<hbm>> -> memref<1x16xi32, #tpu.memory_space<hbm>>
    %dma_wait3A_317 = tpu.memref_squeeze %dma_wait3A_316 : memref<1x16xi32, #tpu.memory_space<hbm>> -> memref<16xi32, #tpu.memory_space<hbm>>
    tpu.wait_dma2 semaphore(%arg12 : memref<!tpu.dma_semaphore, #tpu.memory_space<semaphore_mem>>) src(%dma_wait3A_317 : memref<16xi32, #tpu.memory_space<hbm>>) dst(%dma_wait3A_315 : memref<16xi32, #tpu.memory_space<vmem>>)
    %dma_wait3A_318 = arith.constant 7 : i32
    %dma_wait3A_319 = arith.constant 0 : i32
    %dma_wait3A_320 = tpu.memref_slice %arg5[%dma_wait3A_318, %dma_wait3A_319] : memref<16x16xi32, #tpu.memory_space<vmem>> -> memref<1x16xi32, #tpu.memory_space<vmem>>
    %dma_wait3A_321 = tpu.memref_squeeze %dma_wait3A_320 : memref<1x16xi32, #tpu.memory_space<vmem>> -> memref<16xi32, #tpu.memory_space<vmem>>
    %dma_wait3A_322 = tpu.memref_slice %arg2[%select_n3A, %add3A_126] : memref<4x2048xi32, #tpu.memory_space<hbm>> -> memref<1x16xi32, #tpu.memory_space<hbm>>
    %dma_wait3A_323 = tpu.memref_squeeze %dma_wait3A_322 : memref<1x16xi32, #tpu.memory_space<hbm>> -> memref<16xi32, #tpu.memory_space<hbm>>
    %dma_wait3A_324 = arith.constant 0 : i32
    %dma_wait3A_325 = tpu.memref_slice %arg5[%dma_wait3A_318, %dma_wait3A_324] : memref<16x16xi32, #tpu.memory_space<vmem>> -> memref<1x16xi32, #tpu.memory_space<vmem>>
    %dma_wait3A_326 = tpu.memref_squeeze %dma_wait3A_325 : memref<1x16xi32, #tpu.memory_space<vmem>> -> memref<16xi32, #tpu.memory_space<vmem>>
    %dma_wait3A_327 = tpu.memref_slice %arg2[%select_n3A, %add3A_126] : memref<4x2048xi32, #tpu.memory_space<hbm>> -> memref<1x16xi32, #tpu.memory_space<hbm>>
    %dma_wait3A_328 = tpu.memref_squeeze %dma_wait3A_327 : memref<1x16xi32, #tpu.memory_space<hbm>> -> memref<16xi32, #tpu.memory_space<hbm>>
    tpu.wait_dma2 semaphore(%arg12 : memref<!tpu.dma_semaphore, #tpu.memory_space<semaphore_mem>>) src(%dma_wait3A_328 : memref<16xi32, #tpu.memory_space<hbm>>) dst(%dma_wait3A_326 : memref<16xi32, #tpu.memory_space<vmem>>)
    %dma_wait3A_329 = arith.constant 8 : i32
    %dma_wait3A_330 = arith.constant 0 : i32
    %dma_wait3A_331 = tpu.memref_slice %arg5[%dma_wait3A_329, %dma_wait3A_330] : memref<16x16xi32, #tpu.memory_space<vmem>> -> memref<1x16xi32, #tpu.memory_space<vmem>>
    %dma_wait3A_332 = tpu.memref_squeeze %dma_wait3A_331 : memref<1x16xi32, #tpu.memory_space<vmem>> -> memref<16xi32, #tpu.memory_space<vmem>>
    %dma_wait3A_333 = tpu.memref_slice %arg2[%select_n3A, %add3A_139] : memref<4x2048xi32, #tpu.memory_space<hbm>> -> memref<1x16xi32, #tpu.memory_space<hbm>>
    %dma_wait3A_334 = tpu.memref_squeeze %dma_wait3A_333 : memref<1x16xi32, #tpu.memory_space<hbm>> -> memref<16xi32, #tpu.memory_space<hbm>>
    %dma_wait3A_335 = arith.constant 0 : i32
    %dma_wait3A_336 = tpu.memref_slice %arg5[%dma_wait3A_329, %dma_wait3A_335] : memref<16x16xi32, #tpu.memory_space<vmem>> -> memref<1x16xi32, #tpu.memory_space<vmem>>
    %dma_wait3A_337 = tpu.memref_squeeze %dma_wait3A_336 : memref<1x16xi32, #tpu.memory_space<vmem>> -> memref<16xi32, #tpu.memory_space<vmem>>
    %dma_wait3A_338 = tpu.memref_slice %arg2[%select_n3A, %add3A_139] : memref<4x2048xi32, #tpu.memory_space<hbm>> -> memref<1x16xi32, #tpu.memory_space<hbm>>
    %dma_wait3A_339 = tpu.memref_squeeze %dma_wait3A_338 : memref<1x16xi32, #tpu.memory_space<hbm>> -> memref<16xi32, #tpu.memory_space<hbm>>
    tpu.wait_dma2 semaphore(%arg12 : memref<!tpu.dma_semaphore, #tpu.memory_space<semaphore_mem>>) src(%dma_wait3A_339 : memref<16xi32, #tpu.memory_space<hbm>>) dst(%dma_wait3A_337 : memref<16xi32, #tpu.memory_space<vmem>>)
    %dma_wait3A_340 = arith.constant 9 : i32
    %dma_wait3A_341 = arith.constant 0 : i32
    %dma_wait3A_342 = tpu.memref_slice %arg5[%dma_wait3A_340, %dma_wait3A_341] : memref<16x16xi32, #tpu.memory_space<vmem>> -> memref<1x16xi32, #tpu.memory_space<vmem>>
    %dma_wait3A_343 = tpu.memref_squeeze %dma_wait3A_342 : memref<1x16xi32, #tpu.memory_space<vmem>> -> memref<16xi32, #tpu.memory_space<vmem>>
    %dma_wait3A_344 = tpu.memref_slice %arg2[%select_n3A, %add3A_152] : memref<4x2048xi32, #tpu.memory_space<hbm>> -> memref<1x16xi32, #tpu.memory_space<hbm>>
    %dma_wait3A_345 = tpu.memref_squeeze %dma_wait3A_344 : memref<1x16xi32, #tpu.memory_space<hbm>> -> memref<16xi32, #tpu.memory_space<hbm>>
    %dma_wait3A_346 = arith.constant 0 : i32
    %dma_wait3A_347 = tpu.memref_slice %arg5[%dma_wait3A_340, %dma_wait3A_346] : memref<16x16xi32, #tpu.memory_space<vmem>> -> memref<1x16xi32, #tpu.memory_space<vmem>>
    %dma_wait3A_348 = tpu.memref_squeeze %dma_wait3A_347 : memref<1x16xi32, #tpu.memory_space<vmem>> -> memref<16xi32, #tpu.memory_space<vmem>>
    %dma_wait3A_349 = tpu.memref_slice %arg2[%select_n3A, %add3A_152] : memref<4x2048xi32, #tpu.memory_space<hbm>> -> memref<1x16xi32, #tpu.memory_space<hbm>>
    %dma_wait3A_350 = tpu.memref_squeeze %dma_wait3A_349 : memref<1x16xi32, #tpu.memory_space<hbm>> -> memref<16xi32, #tpu.memory_space<hbm>>
    tpu.wait_dma2 semaphore(%arg12 : memref<!tpu.dma_semaphore, #tpu.memory_space<semaphore_mem>>) src(%dma_wait3A_350 : memref<16xi32, #tpu.memory_space<hbm>>) dst(%dma_wait3A_348 : memref<16xi32, #tpu.memory_space<vmem>>)
    %dma_wait3A_351 = arith.constant 10 : i32
    %dma_wait3A_352 = arith.constant 0 : i32
    %dma_wait3A_353 = tpu.memref_slice %arg5[%dma_wait3A_351, %dma_wait3A_352] : memref<16x16xi32, #tpu.memory_space<vmem>> -> memref<1x16xi32, #tpu.memory_space<vmem>>
    %dma_wait3A_354 = tpu.memref_squeeze %dma_wait3A_353 : memref<1x16xi32, #tpu.memory_space<vmem>> -> memref<16xi32, #tpu.memory_space<vmem>>
    %dma_wait3A_355 = tpu.memref_slice %arg2[%select_n3A, %add3A_165] : memref<4x2048xi32, #tpu.memory_space<hbm>> -> memref<1x16xi32, #tpu.memory_space<hbm>>
    %dma_wait3A_356 = tpu.memref_squeeze %dma_wait3A_355 : memref<1x16xi32, #tpu.memory_space<hbm>> -> memref<16xi32, #tpu.memory_space<hbm>>
    %dma_wait3A_357 = arith.constant 0 : i32
    %dma_wait3A_358 = tpu.memref_slice %arg5[%dma_wait3A_351, %dma_wait3A_357] : memref<16x16xi32, #tpu.memory_space<vmem>> -> memref<1x16xi32, #tpu.memory_space<vmem>>
    %dma_wait3A_359 = tpu.memref_squeeze %dma_wait3A_358 : memref<1x16xi32, #tpu.memory_space<vmem>> -> memref<16xi32, #tpu.memory_space<vmem>>
    %dma_wait3A_360 = tpu.memref_slice %arg2[%select_n3A, %add3A_165] : memref<4x2048xi32, #tpu.memory_space<hbm>> -> memref<1x16xi32, #tpu.memory_space<hbm>>
    %dma_wait3A_361 = tpu.memref_squeeze %dma_wait3A_360 : memref<1x16xi32, #tpu.memory_space<hbm>> -> memref<16xi32, #tpu.memory_space<hbm>>
    tpu.wait_dma2 semaphore(%arg12 : memref<!tpu.dma_semaphore, #tpu.memory_space<semaphore_mem>>) src(%dma_wait3A_361 : memref<16xi32, #tpu.memory_space<hbm>>) dst(%dma_wait3A_359 : memref<16xi32, #tpu.memory_space<vmem>>)
    %dma_wait3A_362 = arith.constant 11 : i32
    %dma_wait3A_363 = arith.constant 0 : i32
    %dma_wait3A_364 = tpu.memref_slice %arg5[%dma_wait3A_362, %dma_wait3A_363] : memref<16x16xi32, #tpu.memory_space<vmem>> -> memref<1x16xi32, #tpu.memory_space<vmem>>
    %dma_wait3A_365 = tpu.memref_squeeze %dma_wait3A_364 : memref<1x16xi32, #tpu.memory_space<vmem>> -> memref<16xi32, #tpu.memory_space<vmem>>
    %dma_wait3A_366 = tpu.memref_slice %arg2[%select_n3A, %add3A_178] : memref<4x2048xi32, #tpu.memory_space<hbm>> -> memref<1x16xi32, #tpu.memory_space<hbm>>
    %dma_wait3A_367 = tpu.memref_squeeze %dma_wait3A_366 : memref<1x16xi32, #tpu.memory_space<hbm>> -> memref<16xi32, #tpu.memory_space<hbm>>
    %dma_wait3A_368 = arith.constant 0 : i32
    %dma_wait3A_369 = tpu.memref_slice %arg5[%dma_wait3A_362, %dma_wait3A_368] : memref<16x16xi32, #tpu.memory_space<vmem>> -> memref<1x16xi32, #tpu.memory_space<vmem>>
    %dma_wait3A_370 = tpu.memref_squeeze %dma_wait3A_369 : memref<1x16xi32, #tpu.memory_space<vmem>> -> memref<16xi32, #tpu.memory_space<vmem>>
    %dma_wait3A_371 = tpu.memref_slice %arg2[%select_n3A, %add3A_178] : memref<4x2048xi32, #tpu.memory_space<hbm>> -> memref<1x16xi32, #tpu.memory_space<hbm>>
    %dma_wait3A_372 = tpu.memref_squeeze %dma_wait3A_371 : memref<1x16xi32, #tpu.memory_space<hbm>> -> memref<16xi32, #tpu.memory_space<hbm>>
    tpu.wait_dma2 semaphore(%arg12 : memref<!tpu.dma_semaphore, #tpu.memory_space<semaphore_mem>>) src(%dma_wait3A_372 : memref<16xi32, #tpu.memory_space<hbm>>) dst(%dma_wait3A_370 : memref<16xi32, #tpu.memory_space<vmem>>)
    %dma_wait3A_373 = arith.constant 12 : i32
    %dma_wait3A_374 = arith.constant 0 : i32
    %dma_wait3A_375 = tpu.memref_slice %arg5[%dma_wait3A_373, %dma_wait3A_374] : memref<16x16xi32, #tpu.memory_space<vmem>> -> memref<1x16xi32, #tpu.memory_space<vmem>>
    %dma_wait3A_376 = tpu.memref_squeeze %dma_wait3A_375 : memref<1x16xi32, #tpu.memory_space<vmem>> -> memref<16xi32, #tpu.memory_space<vmem>>
    %dma_wait3A_377 = tpu.memref_slice %arg2[%select_n3A, %add3A_191] : memref<4x2048xi32, #tpu.memory_space<hbm>> -> memref<1x16xi32, #tpu.memory_space<hbm>>
    %dma_wait3A_378 = tpu.memref_squeeze %dma_wait3A_377 : memref<1x16xi32, #tpu.memory_space<hbm>> -> memref<16xi32, #tpu.memory_space<hbm>>
    %dma_wait3A_379 = arith.constant 0 : i32
    %dma_wait3A_380 = tpu.memref_slice %arg5[%dma_wait3A_373, %dma_wait3A_379] : memref<16x16xi32, #tpu.memory_space<vmem>> -> memref<1x16xi32, #tpu.memory_space<vmem>>
    %dma_wait3A_381 = tpu.memref_squeeze %dma_wait3A_380 : memref<1x16xi32, #tpu.memory_space<vmem>> -> memref<16xi32, #tpu.memory_space<vmem>>
    %dma_wait3A_382 = tpu.memref_slice %arg2[%select_n3A, %add3A_191] : memref<4x2048xi32, #tpu.memory_space<hbm>> -> memref<1x16xi32, #tpu.memory_space<hbm>>
    %dma_wait3A_383 = tpu.memref_squeeze %dma_wait3A_382 : memref<1x16xi32, #tpu.memory_space<hbm>> -> memref<16xi32, #tpu.memory_space<hbm>>
    tpu.wait_dma2 semaphore(%arg12 : memref<!tpu.dma_semaphore, #tpu.memory_space<semaphore_mem>>) src(%dma_wait3A_383 : memref<16xi32, #tpu.memory_space<hbm>>) dst(%dma_wait3A_381 : memref<16xi32, #tpu.memory_space<vmem>>)
    %dma_wait3A_384 = arith.constant 13 : i32
    %dma_wait3A_385 = arith.constant 0 : i32
    %dma_wait3A_386 = tpu.memref_slice %arg5[%dma_wait3A_384, %dma_wait3A_385] : memref<16x16xi32, #tpu.memory_space<vmem>> -> memref<1x16xi32, #tpu.memory_space<vmem>>
    %dma_wait3A_387 = tpu.memref_squeeze %dma_wait3A_386 : memref<1x16xi32, #tpu.memory_space<vmem>> -> memref<16xi32, #tpu.memory_space<vmem>>
    %dma_wait3A_388 = tpu.memref_slice %arg2[%select_n3A, %add3A_204] : memref<4x2048xi32, #tpu.memory_space<hbm>> -> memref<1x16xi32, #tpu.memory_space<hbm>>
    %dma_wait3A_389 = tpu.memref_squeeze %dma_wait3A_388 : memref<1x16xi32, #tpu.memory_space<hbm>> -> memref<16xi32, #tpu.memory_space<hbm>>
    %dma_wait3A_390 = arith.constant 0 : i32
    %dma_wait3A_391 = tpu.memref_slice %arg5[%dma_wait3A_384, %dma_wait3A_390] : memref<16x16xi32, #tpu.memory_space<vmem>> -> memref<1x16xi32, #tpu.memory_space<vmem>>
    %dma_wait3A_392 = tpu.memref_squeeze %dma_wait3A_391 : memref<1x16xi32, #tpu.memory_space<vmem>> -> memref<16xi32, #tpu.memory_space<vmem>>
    %dma_wait3A_393 = tpu.memref_slice %arg2[%select_n3A, %add3A_204] : memref<4x2048xi32, #tpu.memory_space<hbm>> -> memref<1x16xi32, #tpu.memory_space<hbm>>
    %dma_wait3A_394 = tpu.memref_squeeze %dma_wait3A_393 : memref<1x16xi32, #tpu.memory_space<hbm>> -> memref<16xi32, #tpu.memory_space<hbm>>
    tpu.wait_dma2 semaphore(%arg12 : memref<!tpu.dma_semaphore, #tpu.memory_space<semaphore_mem>>) src(%dma_wait3A_394 : memref<16xi32, #tpu.memory_space<hbm>>) dst(%dma_wait3A_392 : memref<16xi32, #tpu.memory_space<vmem>>)
    %dma_wait3A_395 = arith.constant 14 : i32
    %dma_wait3A_396 = arith.constant 0 : i32
    %dma_wait3A_397 = tpu.memref_slice %arg5[%dma_wait3A_395, %dma_wait3A_396] : memref<16x16xi32, #tpu.memory_space<vmem>> -> memref<1x16xi32, #tpu.memory_space<vmem>>
    %dma_wait3A_398 = tpu.memref_squeeze %dma_wait3A_397 : memref<1x16xi32, #tpu.memory_space<vmem>> -> memref<16xi32, #tpu.memory_space<vmem>>
    %dma_wait3A_399 = tpu.memref_slice %arg2[%select_n3A, %add3A_217] : memref<4x2048xi32, #tpu.memory_space<hbm>> -> memref<1x16xi32, #tpu.memory_space<hbm>>
    %dma_wait3A_400 = tpu.memref_squeeze %dma_wait3A_399 : memref<1x16xi32, #tpu.memory_space<hbm>> -> memref<16xi32, #tpu.memory_space<hbm>>
    %dma_wait3A_401 = arith.constant 0 : i32
    %dma_wait3A_402 = tpu.memref_slice %arg5[%dma_wait3A_395, %dma_wait3A_401] : memref<16x16xi32, #tpu.memory_space<vmem>> -> memref<1x16xi32, #tpu.memory_space<vmem>>
    %dma_wait3A_403 = tpu.memref_squeeze %dma_wait3A_402 : memref<1x16xi32, #tpu.memory_space<vmem>> -> memref<16xi32, #tpu.memory_space<vmem>>
    %dma_wait3A_404 = tpu.memref_slice %arg2[%select_n3A, %add3A_217] : memref<4x2048xi32, #tpu.memory_space<hbm>> -> memref<1x16xi32, #tpu.memory_space<hbm>>
    %dma_wait3A_405 = tpu.memref_squeeze %dma_wait3A_404 : memref<1x16xi32, #tpu.memory_space<hbm>> -> memref<16xi32, #tpu.memory_space<hbm>>
    tpu.wait_dma2 semaphore(%arg12 : memref<!tpu.dma_semaphore, #tpu.memory_space<semaphore_mem>>) src(%dma_wait3A_405 : memref<16xi32, #tpu.memory_space<hbm>>) dst(%dma_wait3A_403 : memref<16xi32, #tpu.memory_space<vmem>>)
    %dma_wait3A_406 = arith.constant 15 : i32
    %dma_wait3A_407 = arith.constant 0 : i32
    %dma_wait3A_408 = tpu.memref_slice %arg5[%dma_wait3A_406, %dma_wait3A_407] : memref<16x16xi32, #tpu.memory_space<vmem>> -> memref<1x16xi32, #tpu.memory_space<vmem>>
    %dma_wait3A_409 = tpu.memref_squeeze %dma_wait3A_408 : memref<1x16xi32, #tpu.memory_space<vmem>> -> memref<16xi32, #tpu.memory_space<vmem>>
    %dma_wait3A_410 = tpu.memref_slice %arg2[%select_n3A, %add3A_230] : memref<4x2048xi32, #tpu.memory_space<hbm>> -> memref<1x16xi32, #tpu.memory_space<hbm>>
    %dma_wait3A_411 = tpu.memref_squeeze %dma_wait3A_410 : memref<1x16xi32, #tpu.memory_space<hbm>> -> memref<16xi32, #tpu.memory_space<hbm>>
    %dma_wait3A_412 = arith.constant 0 : i32
    %dma_wait3A_413 = tpu.memref_slice %arg5[%dma_wait3A_406, %dma_wait3A_412] : memref<16x16xi32, #tpu.memory_space<vmem>> -> memref<1x16xi32, #tpu.memory_space<vmem>>
    %dma_wait3A_414 = tpu.memref_squeeze %dma_wait3A_413 : memref<1x16xi32, #tpu.memory_space<vmem>> -> memref<16xi32, #tpu.memory_space<vmem>>
    %dma_wait3A_415 = tpu.memref_slice %arg2[%select_n3A, %add3A_230] : memref<4x2048xi32, #tpu.memory_space<hbm>> -> memref<1x16xi32, #tpu.memory_space<hbm>>
    %dma_wait3A_416 = tpu.memref_squeeze %dma_wait3A_415 : memref<1x16xi32, #tpu.memory_space<hbm>> -> memref<16xi32, #tpu.memory_space<hbm>>
    tpu.wait_dma2 semaphore(%arg12 : memref<!tpu.dma_semaphore, #tpu.memory_space<semaphore_mem>>) src(%dma_wait3A_416 : memref<16xi32, #tpu.memory_space<hbm>>) dst(%dma_wait3A_414 : memref<16xi32, #tpu.memory_space<vmem>>)
    %dma_start3A_417 = arith.constant 0 : i32
    %dma_start3A_418 = arith.constant 0 : i32
    %dma_start3A_419 = tpu.memref_slice %arg5[%dma_start3A_417, %dma_start3A_418] : memref<16x16xi32, #tpu.memory_space<vmem>> -> memref<1x16xi32, #tpu.memory_space<vmem>>
    %dma_start3A_420 = tpu.memref_squeeze %dma_start3A_419 : memref<1x16xi32, #tpu.memory_space<vmem>> -> memref<16xi32, #tpu.memory_space<vmem>>
    %dma_start3A_421 = arith.constant 0 : i32
    %dma_start3A_422 = arith.constant 0 : i32
    %dma_start3A_423 = tpu.memref_slice %arg3[%dma_start3A_421, %dma_start3A_422] : memref<100000x2048xf32, #tpu.memory_space<hbm>> -> memref<100000x2048xf32, #tpu.memory_space<hbm>>
    tpu.enqueue_indirect_dma source(%dma_start3A_423 : memref<100000x2048xf32, #tpu.memory_space<hbm>>) target(%arg6 : memref<16x2048xf32, #tpu.memory_space<vmem>>) offsets(%dma_start3A_420 : memref<16xi32, #tpu.memory_space<vmem>>) semaphore(%arg9 : memref<!tpu.dma_semaphore, #tpu.memory_space<semaphore_mem>>)
    %dma_start3A_424 = arith.constant 1 : i32
    %dma_start3A_425 = arith.constant 0 : i32
    %dma_start3A_426 = tpu.memref_slice %arg5[%dma_start3A_424, %dma_start3A_425] : memref<16x16xi32, #tpu.memory_space<vmem>> -> memref<1x16xi32, #tpu.memory_space<vmem>>
    %dma_start3A_427 = tpu.memref_squeeze %dma_start3A_426 : memref<1x16xi32, #tpu.memory_space<vmem>> -> memref<16xi32, #tpu.memory_space<vmem>>
    %dma_start3A_428 = arith.constant 0 : i32
    %dma_start3A_429 = arith.constant 0 : i32
    %dma_start3A_430 = tpu.memref_slice %arg3[%dma_start3A_428, %dma_start3A_429] : memref<100000x2048xf32, #tpu.memory_space<hbm>> -> memref<100000x2048xf32, #tpu.memory_space<hbm>>
    tpu.enqueue_indirect_dma source(%dma_start3A_430 : memref<100000x2048xf32, #tpu.memory_space<hbm>>) target(%arg7 : memref<16x2048xf32, #tpu.memory_space<vmem>>) offsets(%dma_start3A_427 : memref<16xi32, #tpu.memory_space<vmem>>) semaphore(%arg10 : memref<!tpu.dma_semaphore, #tpu.memory_space<semaphore_mem>>)
    %dma_start3A_431 = arith.constant 2 : i32
    %dma_start3A_432 = arith.constant 0 : i32
    %dma_start3A_433 = tpu.memref_slice %arg5[%dma_start3A_431, %dma_start3A_432] : memref<16x16xi32, #tpu.memory_space<vmem>> -> memref<1x16xi32, #tpu.memory_space<vmem>>
    %dma_start3A_434 = tpu.memref_squeeze %dma_start3A_433 : memref<1x16xi32, #tpu.memory_space<vmem>> -> memref<16xi32, #tpu.memory_space<vmem>>
    %dma_start3A_435 = arith.constant 0 : i32
    %dma_start3A_436 = arith.constant 0 : i32
    %dma_start3A_437 = tpu.memref_slice %arg3[%dma_start3A_435, %dma_start3A_436] : memref<100000x2048xf32, #tpu.memory_space<hbm>> -> memref<100000x2048xf32, #tpu.memory_space<hbm>>
    tpu.enqueue_indirect_dma source(%dma_start3A_437 : memref<100000x2048xf32, #tpu.memory_space<hbm>>) target(%arg8 : memref<16x2048xf32, #tpu.memory_space<vmem>>) offsets(%dma_start3A_434 : memref<16xi32, #tpu.memory_space<vmem>>) semaphore(%arg11 : memref<!tpu.dma_semaphore, #tpu.memory_space<semaphore_mem>>)
    %dma_wait3A_438 = arith.constant 0 : i32
    %dma_wait3A_439 = arith.constant 0 : i32
    %dma_wait3A_440 = tpu.memref_slice %arg5[%dma_wait3A_438, %dma_wait3A_439] : memref<16x16xi32, #tpu.memory_space<vmem>> -> memref<1x16xi32, #tpu.memory_space<vmem>>
    %dma_wait3A_441 = tpu.memref_squeeze %dma_wait3A_440 : memref<1x16xi32, #tpu.memory_space<vmem>> -> memref<16xi32, #tpu.memory_space<vmem>>
    %dma_wait3A_442 = arith.constant 0 : i32
    %dma_wait3A_443 = arith.constant 0 : i32
    %dma_wait3A_444 = tpu.memref_slice %arg3[%dma_wait3A_442, %dma_wait3A_443] : memref<100000x2048xf32, #tpu.memory_space<hbm>> -> memref<100000x2048xf32, #tpu.memory_space<hbm>>
    tpu.wait_indirect_dma semaphore(%arg9 : memref<!tpu.dma_semaphore, #tpu.memory_space<semaphore_mem>>) src(%dma_wait3A_444 : memref<100000x2048xf32, #tpu.memory_space<hbm>>) dst(%arg6 : memref<16x2048xf32, #tpu.memory_space<vmem>>)
    %add3A_445 = arith.constant 0 : i32
    %add3A_446 = arith.addi %mul3A_2, %add3A_445 : i32
    %dma_start3A_447 = arith.constant 0 : i32
    %dma_start3A_448 = tpu.memref_slice %arg4[%add3A_446, %dma_start3A_447] : memref<8192x2048xf32, #tpu.memory_space<hbm>> -> memref<16x2048xf32, #tpu.memory_space<hbm>>
    %dma_start3A_449 = arith.constant 0 : i32
    %dma_start3A_450 = tpu.memref_slice %arg4[%add3A_446, %dma_start3A_449] : memref<8192x2048xf32, #tpu.memory_space<hbm>> -> memref<16x2048xf32, #tpu.memory_space<hbm>>
    tpu.enqueue_dma source(%arg6 : memref<16x2048xf32, #tpu.memory_space<vmem>>) target(%dma_start3A_450 : memref<16x2048xf32, #tpu.memory_space<hbm>>) target_semaphore(%arg13 : memref<!tpu.dma_semaphore, #tpu.memory_space<semaphore_mem>>)
    %dma_wait3A_451 = arith.constant 0 : i32
    %dma_wait3A_452 = tpu.memref_slice %arg4[%add3A_446, %dma_wait3A_451] : memref<8192x2048xf32, #tpu.memory_space<hbm>> -> memref<16x2048xf32, #tpu.memory_space<hbm>>
    %dma_wait3A_453 = arith.constant 0 : i32
    %dma_wait3A_454 = tpu.memref_slice %arg4[%add3A_446, %dma_wait3A_453] : memref<8192x2048xf32, #tpu.memory_space<hbm>> -> memref<16x2048xf32, #tpu.memory_space<hbm>>
    tpu.wait_dma2 semaphore(%arg13 : memref<!tpu.dma_semaphore, #tpu.memory_space<semaphore_mem>>) src(%arg6 : memref<16x2048xf32, #tpu.memory_space<vmem>>) dst(%dma_wait3A_454 : memref<16x2048xf32, #tpu.memory_space<hbm>>)
    %dma_start3A_455 = arith.constant 3 : i32
    %dma_start3A_456 = arith.constant 0 : i32
    %dma_start3A_457 = tpu.memref_slice %arg5[%dma_start3A_455, %dma_start3A_456] : memref<16x16xi32, #tpu.memory_space<vmem>> -> memref<1x16xi32, #tpu.memory_space<vmem>>
    %dma_start3A_458 = tpu.memref_squeeze %dma_start3A_457 : memref<1x16xi32, #tpu.memory_space<vmem>> -> memref<16xi32, #tpu.memory_space<vmem>>
    %dma_start3A_459 = arith.constant 0 : i32
    %dma_start3A_460 = arith.constant 0 : i32
    %dma_start3A_461 = tpu.memref_slice %arg3[%dma_start3A_459, %dma_start3A_460] : memref<100000x2048xf32, #tpu.memory_space<hbm>> -> memref<100000x2048xf32, #tpu.memory_space<hbm>>
    tpu.enqueue_indirect_dma source(%dma_start3A_461 : memref<100000x2048xf32, #tpu.memory_space<hbm>>) target(%arg6 : memref<16x2048xf32, #tpu.memory_space<vmem>>) offsets(%dma_start3A_458 : memref<16xi32, #tpu.memory_space<vmem>>) semaphore(%arg9 : memref<!tpu.dma_semaphore, #tpu.memory_space<semaphore_mem>>)
    %dma_wait3A_462 = arith.constant 1 : i32
    %dma_wait3A_463 = arith.constant 0 : i32
    %dma_wait3A_464 = tpu.memref_slice %arg5[%dma_wait3A_462, %dma_wait3A_463] : memref<16x16xi32, #tpu.memory_space<vmem>> -> memref<1x16xi32, #tpu.memory_space<vmem>>
    %dma_wait3A_465 = tpu.memref_squeeze %dma_wait3A_464 : memref<1x16xi32, #tpu.memory_space<vmem>> -> memref<16xi32, #tpu.memory_space<vmem>>
    %dma_wait3A_466 = arith.constant 0 : i32
    %dma_wait3A_467 = arith.constant 0 : i32
    %dma_wait3A_468 = tpu.memref_slice %arg3[%dma_wait3A_466, %dma_wait3A_467] : memref<100000x2048xf32, #tpu.memory_space<hbm>> -> memref<100000x2048xf32, #tpu.memory_space<hbm>>
    tpu.wait_indirect_dma semaphore(%arg10 : memref<!tpu.dma_semaphore, #tpu.memory_space<semaphore_mem>>) src(%dma_wait3A_468 : memref<100000x2048xf32, #tpu.memory_space<hbm>>) dst(%arg7 : memref<16x2048xf32, #tpu.memory_space<vmem>>)
    %add3A_469 = arith.constant 16 : i32
    %add3A_470 = arith.addi %mul3A_2, %add3A_469 : i32
    %dma_start3A_471 = arith.constant 0 : i32
    %dma_start3A_472 = tpu.memref_slice %arg4[%add3A_470, %dma_start3A_471] : memref<8192x2048xf32, #tpu.memory_space<hbm>> -> memref<16x2048xf32, #tpu.memory_space<hbm>>
    %dma_start3A_473 = arith.constant 0 : i32
    %dma_start3A_474 = tpu.memref_slice %arg4[%add3A_470, %dma_start3A_473] : memref<8192x2048xf32, #tpu.memory_space<hbm>> -> memref<16x2048xf32, #tpu.memory_space<hbm>>
    tpu.enqueue_dma source(%arg7 : memref<16x2048xf32, #tpu.memory_space<vmem>>) target(%dma_start3A_474 : memref<16x2048xf32, #tpu.memory_space<hbm>>) target_semaphore(%arg14 : memref<!tpu.dma_semaphore, #tpu.memory_space<semaphore_mem>>)
    %dma_wait3A_475 = arith.constant 0 : i32
    %dma_wait3A_476 = tpu.memref_slice %arg4[%add3A_470, %dma_wait3A_475] : memref<8192x2048xf32, #tpu.memory_space<hbm>> -> memref<16x2048xf32, #tpu.memory_space<hbm>>
    %dma_wait3A_477 = arith.constant 0 : i32
    %dma_wait3A_478 = tpu.memref_slice %arg4[%add3A_470, %dma_wait3A_477] : memref<8192x2048xf32, #tpu.memory_space<hbm>> -> memref<16x2048xf32, #tpu.memory_space<hbm>>
    tpu.wait_dma2 semaphore(%arg14 : memref<!tpu.dma_semaphore, #tpu.memory_space<semaphore_mem>>) src(%arg7 : memref<16x2048xf32, #tpu.memory_space<vmem>>) dst(%dma_wait3A_478 : memref<16x2048xf32, #tpu.memory_space<hbm>>)
    %dma_start3A_479 = arith.constant 4 : i32
    %dma_start3A_480 = arith.constant 0 : i32
    %dma_start3A_481 = tpu.memref_slice %arg5[%dma_start3A_479, %dma_start3A_480] : memref<16x16xi32, #tpu.memory_space<vmem>> -> memref<1x16xi32, #tpu.memory_space<vmem>>
    %dma_start3A_482 = tpu.memref_squeeze %dma_start3A_481 : memref<1x16xi32, #tpu.memory_space<vmem>> -> memref<16xi32, #tpu.memory_space<vmem>>
    %dma_start3A_483 = arith.constant 0 : i32
    %dma_start3A_484 = arith.constant 0 : i32
    %dma_start3A_485 = tpu.memref_slice %arg3[%dma_start3A_483, %dma_start3A_484] : memref<100000x2048xf32, #tpu.memory_space<hbm>> -> memref<100000x2048xf32, #tpu.memory_space<hbm>>
    tpu.enqueue_indirect_dma source(%dma_start3A_485 : memref<100000x2048xf32, #tpu.memory_space<hbm>>) target(%arg7 : memref<16x2048xf32, #tpu.memory_space<vmem>>) offsets(%dma_start3A_482 : memref<16xi32, #tpu.memory_space<vmem>>) semaphore(%arg10 : memref<!tpu.dma_semaphore, #tpu.memory_space<semaphore_mem>>)
    %dma_wait3A_486 = arith.constant 2 : i32
    %dma_wait3A_487 = arith.constant 0 : i32
    %dma_wait3A_488 = tpu.memref_slice %arg5[%dma_wait3A_486, %dma_wait3A_487] : memref<16x16xi32, #tpu.memory_space<vmem>> -> memref<1x16xi32, #tpu.memory_space<vmem>>
    %dma_wait3A_489 = tpu.memref_squeeze %dma_wait3A_488 : memref<1x16xi32, #tpu.memory_space<vmem>> -> memref<16xi32, #tpu.memory_space<vmem>>
    %dma_wait3A_490 = arith.constant 0 : i32
    %dma_wait3A_491 = arith.constant 0 : i32
    %dma_wait3A_492 = tpu.memref_slice %arg3[%dma_wait3A_490, %dma_wait3A_491] : memref<100000x2048xf32, #tpu.memory_space<hbm>> -> memref<100000x2048xf32, #tpu.memory_space<hbm>>
    tpu.wait_indirect_dma semaphore(%arg11 : memref<!tpu.dma_semaphore, #tpu.memory_space<semaphore_mem>>) src(%dma_wait3A_492 : memref<100000x2048xf32, #tpu.memory_space<hbm>>) dst(%arg8 : memref<16x2048xf32, #tpu.memory_space<vmem>>)
    %add3A_493 = arith.constant 32 : i32
    %add3A_494 = arith.addi %mul3A_2, %add3A_493 : i32
    %dma_start3A_495 = arith.constant 0 : i32
    %dma_start3A_496 = tpu.memref_slice %arg4[%add3A_494, %dma_start3A_495] : memref<8192x2048xf32, #tpu.memory_space<hbm>> -> memref<16x2048xf32, #tpu.memory_space<hbm>>
    %dma_start3A_497 = arith.constant 0 : i32
    %dma_start3A_498 = tpu.memref_slice %arg4[%add3A_494, %dma_start3A_497] : memref<8192x2048xf32, #tpu.memory_space<hbm>> -> memref<16x2048xf32, #tpu.memory_space<hbm>>
    tpu.enqueue_dma source(%arg8 : memref<16x2048xf32, #tpu.memory_space<vmem>>) target(%dma_start3A_498 : memref<16x2048xf32, #tpu.memory_space<hbm>>) target_semaphore(%arg15 : memref<!tpu.dma_semaphore, #tpu.memory_space<semaphore_mem>>)
    %dma_wait3A_499 = arith.constant 0 : i32
    %dma_wait3A_500 = tpu.memref_slice %arg4[%add3A_494, %dma_wait3A_499] : memref<8192x2048xf32, #tpu.memory_space<hbm>> -> memref<16x2048xf32, #tpu.memory_space<hbm>>
    %dma_wait3A_501 = arith.constant 0 : i32
    %dma_wait3A_502 = tpu.memref_slice %arg4[%add3A_494, %dma_wait3A_501] : memref<8192x2048xf32, #tpu.memory_space<hbm>> -> memref<16x2048xf32, #tpu.memory_space<hbm>>
    tpu.wait_dma2 semaphore(%arg15 : memref<!tpu.dma_semaphore, #tpu.memory_space<semaphore_mem>>) src(%arg8 : memref<16x2048xf32, #tpu.memory_space<vmem>>) dst(%dma_wait3A_502 : memref<16x2048xf32, #tpu.memory_space<hbm>>)
    %dma_start3A_503 = arith.constant 5 : i32
    %dma_start3A_504 = arith.constant 0 : i32
    %dma_start3A_505 = tpu.memref_slice %arg5[%dma_start3A_503, %dma_start3A_504] : memref<16x16xi32, #tpu.memory_space<vmem>> -> memref<1x16xi32, #tpu.memory_space<vmem>>
    %dma_start3A_506 = tpu.memref_squeeze %dma_start3A_505 : memref<1x16xi32, #tpu.memory_space<vmem>> -> memref<16xi32, #tpu.memory_space<vmem>>
    %dma_start3A_507 = arith.constant 0 : i32
    %dma_start3A_508 = arith.constant 0 : i32
    %dma_start3A_509 = tpu.memref_slice %arg3[%dma_start3A_507, %dma_start3A_508] : memref<100000x2048xf32, #tpu.memory_space<hbm>> -> memref<100000x2048xf32, #tpu.memory_space<hbm>>
    tpu.enqueue_indirect_dma source(%dma_start3A_509 : memref<100000x2048xf32, #tpu.memory_space<hbm>>) target(%arg8 : memref<16x2048xf32, #tpu.memory_space<vmem>>) offsets(%dma_start3A_506 : memref<16xi32, #tpu.memory_space<vmem>>) semaphore(%arg11 : memref<!tpu.dma_semaphore, #tpu.memory_space<semaphore_mem>>)
    %dma_wait3A_510 = arith.constant 3 : i32
    %dma_wait3A_511 = arith.constant 0 : i32
    %dma_wait3A_512 = tpu.memref_slice %arg5[%dma_wait3A_510, %dma_wait3A_511] : memref<16x16xi32, #tpu.memory_space<vmem>> -> memref<1x16xi32, #tpu.memory_space<vmem>>
    %dma_wait3A_513 = tpu.memref_squeeze %dma_wait3A_512 : memref<1x16xi32, #tpu.memory_space<vmem>> -> memref<16xi32, #tpu.memory_space<vmem>>
    %dma_wait3A_514 = arith.constant 0 : i32
    %dma_wait3A_515 = arith.constant 0 : i32
    %dma_wait3A_516 = tpu.memref_slice %arg3[%dma_wait3A_514, %dma_wait3A_515] : memref<100000x2048xf32, #tpu.memory_space<hbm>> -> memref<100000x2048xf32, #tpu.memory_space<hbm>>
    tpu.wait_indirect_dma semaphore(%arg9 : memref<!tpu.dma_semaphore, #tpu.memory_space<semaphore_mem>>) src(%dma_wait3A_516 : memref<100000x2048xf32, #tpu.memory_space<hbm>>) dst(%arg6 : memref<16x2048xf32, #tpu.memory_space<vmem>>)
    %add3A_517 = arith.constant 48 : i32
    %add3A_518 = arith.addi %mul3A_2, %add3A_517 : i32
    %dma_start3A_519 = arith.constant 0 : i32
    %dma_start3A_520 = tpu.memref_slice %arg4[%add3A_518, %dma_start3A_519] : memref<8192x2048xf32, #tpu.memory_space<hbm>> -> memref<16x2048xf32, #tpu.memory_space<hbm>>
    %dma_start3A_521 = arith.constant 0 : i32
    %dma_start3A_522 = tpu.memref_slice %arg4[%add3A_518, %dma_start3A_521] : memref<8192x2048xf32, #tpu.memory_space<hbm>> -> memref<16x2048xf32, #tpu.memory_space<hbm>>
    tpu.enqueue_dma source(%arg6 : memref<16x2048xf32, #tpu.memory_space<vmem>>) target(%dma_start3A_522 : memref<16x2048xf32, #tpu.memory_space<hbm>>) target_semaphore(%arg13 : memref<!tpu.dma_semaphore, #tpu.memory_space<semaphore_mem>>)
    %dma_wait3A_523 = arith.constant 0 : i32
    %dma_wait3A_524 = tpu.memref_slice %arg4[%add3A_518, %dma_wait3A_523] : memref<8192x2048xf32, #tpu.memory_space<hbm>> -> memref<16x2048xf32, #tpu.memory_space<hbm>>
    %dma_wait3A_525 = arith.constant 0 : i32
    %dma_wait3A_526 = tpu.memref_slice %arg4[%add3A_518, %dma_wait3A_525] : memref<8192x2048xf32, #tpu.memory_space<hbm>> -> memref<16x2048xf32, #tpu.memory_space<hbm>>
    tpu.wait_dma2 semaphore(%arg13 : memref<!tpu.dma_semaphore, #tpu.memory_space<semaphore_mem>>) src(%arg6 : memref<16x2048xf32, #tpu.memory_space<vmem>>) dst(%dma_wait3A_526 : memref<16x2048xf32, #tpu.memory_space<hbm>>)
    %dma_start3A_527 = arith.constant 6 : i32
    %dma_start3A_528 = arith.constant 0 : i32
    %dma_start3A_529 = tpu.memref_slice %arg5[%dma_start3A_527, %dma_start3A_528] : memref<16x16xi32, #tpu.memory_space<vmem>> -> memref<1x16xi32, #tpu.memory_space<vmem>>
    %dma_start3A_530 = tpu.memref_squeeze %dma_start3A_529 : memref<1x16xi32, #tpu.memory_space<vmem>> -> memref<16xi32, #tpu.memory_space<vmem>>
    %dma_start3A_531 = arith.constant 0 : i32
    %dma_start3A_532 = arith.constant 0 : i32
    %dma_start3A_533 = tpu.memref_slice %arg3[%dma_start3A_531, %dma_start3A_532] : memref<100000x2048xf32, #tpu.memory_space<hbm>> -> memref<100000x2048xf32, #tpu.memory_space<hbm>>
    tpu.enqueue_indirect_dma source(%dma_start3A_533 : memref<100000x2048xf32, #tpu.memory_space<hbm>>) target(%arg6 : memref<16x2048xf32, #tpu.memory_space<vmem>>) offsets(%dma_start3A_530 : memref<16xi32, #tpu.memory_space<vmem>>) semaphore(%arg9 : memref<!tpu.dma_semaphore, #tpu.memory_space<semaphore_mem>>)
    %dma_wait3A_534 = arith.constant 4 : i32
    %dma_wait3A_535 = arith.constant 0 : i32
    %dma_wait3A_536 = tpu.memref_slice %arg5[%dma_wait3A_534, %dma_wait3A_535] : memref<16x16xi32, #tpu.memory_space<vmem>> -> memref<1x16xi32, #tpu.memory_space<vmem>>
    %dma_wait3A_537 = tpu.memref_squeeze %dma_wait3A_536 : memref<1x16xi32, #tpu.memory_space<vmem>> -> memref<16xi32, #tpu.memory_space<vmem>>
    %dma_wait3A_538 = arith.constant 0 : i32
    %dma_wait3A_539 = arith.constant 0 : i32
    %dma_wait3A_540 = tpu.memref_slice %arg3[%dma_wait3A_538, %dma_wait3A_539] : memref<100000x2048xf32, #tpu.memory_space<hbm>> -> memref<100000x2048xf32, #tpu.memory_space<hbm>>
    tpu.wait_indirect_dma semaphore(%arg10 : memref<!tpu.dma_semaphore, #tpu.memory_space<semaphore_mem>>) src(%dma_wait3A_540 : memref<100000x2048xf32, #tpu.memory_space<hbm>>) dst(%arg7 : memref<16x2048xf32, #tpu.memory_space<vmem>>)
    %add3A_541 = arith.constant 64 : i32
    %add3A_542 = arith.addi %mul3A_2, %add3A_541 : i32
    %dma_start3A_543 = arith.constant 0 : i32
    %dma_start3A_544 = tpu.memref_slice %arg4[%add3A_542, %dma_start3A_543] : memref<8192x2048xf32, #tpu.memory_space<hbm>> -> memref<16x2048xf32, #tpu.memory_space<hbm>>
    %dma_start3A_545 = arith.constant 0 : i32
    %dma_start3A_546 = tpu.memref_slice %arg4[%add3A_542, %dma_start3A_545] : memref<8192x2048xf32, #tpu.memory_space<hbm>> -> memref<16x2048xf32, #tpu.memory_space<hbm>>
    tpu.enqueue_dma source(%arg7 : memref<16x2048xf32, #tpu.memory_space<vmem>>) target(%dma_start3A_546 : memref<16x2048xf32, #tpu.memory_space<hbm>>) target_semaphore(%arg14 : memref<!tpu.dma_semaphore, #tpu.memory_space<semaphore_mem>>)
    %dma_wait3A_547 = arith.constant 0 : i32
    %dma_wait3A_548 = tpu.memref_slice %arg4[%add3A_542, %dma_wait3A_547] : memref<8192x2048xf32, #tpu.memory_space<hbm>> -> memref<16x2048xf32, #tpu.memory_space<hbm>>
    %dma_wait3A_549 = arith.constant 0 : i32
    %dma_wait3A_550 = tpu.memref_slice %arg4[%add3A_542, %dma_wait3A_549] : memref<8192x2048xf32, #tpu.memory_space<hbm>> -> memref<16x2048xf32, #tpu.memory_space<hbm>>
    tpu.wait_dma2 semaphore(%arg14 : memref<!tpu.dma_semaphore, #tpu.memory_space<semaphore_mem>>) src(%arg7 : memref<16x2048xf32, #tpu.memory_space<vmem>>) dst(%dma_wait3A_550 : memref<16x2048xf32, #tpu.memory_space<hbm>>)
    %dma_start3A_551 = arith.constant 7 : i32
    %dma_start3A_552 = arith.constant 0 : i32
    %dma_start3A_553 = tpu.memref_slice %arg5[%dma_start3A_551, %dma_start3A_552] : memref<16x16xi32, #tpu.memory_space<vmem>> -> memref<1x16xi32, #tpu.memory_space<vmem>>
    %dma_start3A_554 = tpu.memref_squeeze %dma_start3A_553 : memref<1x16xi32, #tpu.memory_space<vmem>> -> memref<16xi32, #tpu.memory_space<vmem>>
    %dma_start3A_555 = arith.constant 0 : i32
    %dma_start3A_556 = arith.constant 0 : i32
    %dma_start3A_557 = tpu.memref_slice %arg3[%dma_start3A_555, %dma_start3A_556] : memref<100000x2048xf32, #tpu.memory_space<hbm>> -> memref<100000x2048xf32, #tpu.memory_space<hbm>>
    tpu.enqueue_indirect_dma source(%dma_start3A_557 : memref<100000x2048xf32, #tpu.memory_space<hbm>>) target(%arg7 : memref<16x2048xf32, #tpu.memory_space<vmem>>) offsets(%dma_start3A_554 : memref<16xi32, #tpu.memory_space<vmem>>) semaphore(%arg10 : memref<!tpu.dma_semaphore, #tpu.memory_space<semaphore_mem>>)
    %dma_wait3A_558 = arith.constant 5 : i32
    %dma_wait3A_559 = arith.constant 0 : i32
    %dma_wait3A_560 = tpu.memref_slice %arg5[%dma_wait3A_558, %dma_wait3A_559] : memref<16x16xi32, #tpu.memory_space<vmem>> -> memref<1x16xi32, #tpu.memory_space<vmem>>
    %dma_wait3A_561 = tpu.memref_squeeze %dma_wait3A_560 : memref<1x16xi32, #tpu.memory_space<vmem>> -> memref<16xi32, #tpu.memory_space<vmem>>
    %dma_wait3A_562 = arith.constant 0 : i32
    %dma_wait3A_563 = arith.constant 0 : i32
    %dma_wait3A_564 = tpu.memref_slice %arg3[%dma_wait3A_562, %dma_wait3A_563] : memref<100000x2048xf32, #tpu.memory_space<hbm>> -> memref<100000x2048xf32, #tpu.memory_space<hbm>>
    tpu.wait_indirect_dma semaphore(%arg11 : memref<!tpu.dma_semaphore, #tpu.memory_space<semaphore_mem>>) src(%dma_wait3A_564 : memref<100000x2048xf32, #tpu.memory_space<hbm>>) dst(%arg8 : memref<16x2048xf32, #tpu.memory_space<vmem>>)
    %add3A_565 = arith.constant 80 : i32
    %add3A_566 = arith.addi %mul3A_2, %add3A_565 : i32
    %dma_start3A_567 = arith.constant 0 : i32
    %dma_start3A_568 = tpu.memref_slice %arg4[%add3A_566, %dma_start3A_567] : memref<8192x2048xf32, #tpu.memory_space<hbm>> -> memref<16x2048xf32, #tpu.memory_space<hbm>>
    %dma_start3A_569 = arith.constant 0 : i32
    %dma_start3A_570 = tpu.memref_slice %arg4[%add3A_566, %dma_start3A_569] : memref<8192x2048xf32, #tpu.memory_space<hbm>> -> memref<16x2048xf32, #tpu.memory_space<hbm>>
    tpu.enqueue_dma source(%arg8 : memref<16x2048xf32, #tpu.memory_space<vmem>>) target(%dma_start3A_570 : memref<16x2048xf32, #tpu.memory_space<hbm>>) target_semaphore(%arg15 : memref<!tpu.dma_semaphore, #tpu.memory_space<semaphore_mem>>)
    %dma_wait3A_571 = arith.constant 0 : i32
    %dma_wait3A_572 = tpu.memref_slice %arg4[%add3A_566, %dma_wait3A_571] : memref<8192x2048xf32, #tpu.memory_space<hbm>> -> memref<16x2048xf32, #tpu.memory_space<hbm>>
    %dma_wait3A_573 = arith.constant 0 : i32
    %dma_wait3A_574 = tpu.memref_slice %arg4[%add3A_566, %dma_wait3A_573] : memref<8192x2048xf32, #tpu.memory_space<hbm>> -> memref<16x2048xf32, #tpu.memory_space<hbm>>
    tpu.wait_dma2 semaphore(%arg15 : memref<!tpu.dma_semaphore, #tpu.memory_space<semaphore_mem>>) src(%arg8 : memref<16x2048xf32, #tpu.memory_space<vmem>>) dst(%dma_wait3A_574 : memref<16x2048xf32, #tpu.memory_space<hbm>>)
    %dma_start3A_575 = arith.constant 8 : i32
    %dma_start3A_576 = arith.constant 0 : i32
    %dma_start3A_577 = tpu.memref_slice %arg5[%dma_start3A_575, %dma_start3A_576] : memref<16x16xi32, #tpu.memory_space<vmem>> -> memref<1x16xi32, #tpu.memory_space<vmem>>
    %dma_start3A_578 = tpu.memref_squeeze %dma_start3A_577 : memref<1x16xi32, #tpu.memory_space<vmem>> -> memref<16xi32, #tpu.memory_space<vmem>>
    %dma_start3A_579 = arith.constant 0 : i32
    %dma_start3A_580 = arith.constant 0 : i32
    %dma_start3A_581 = tpu.memref_slice %arg3[%dma_start3A_579, %dma_start3A_580] : memref<100000x2048xf32, #tpu.memory_space<hbm>> -> memref<100000x2048xf32, #tpu.memory_space<hbm>>
    tpu.enqueue_indirect_dma source(%dma_start3A_581 : memref<100000x2048xf32, #tpu.memory_space<hbm>>) target(%arg8 : memref<16x2048xf32, #tpu.memory_space<vmem>>) offsets(%dma_start3A_578 : memref<16xi32, #tpu.memory_space<vmem>>) semaphore(%arg11 : memref<!tpu.dma_semaphore, #tpu.memory_space<semaphore_mem>>)
    %dma_wait3A_582 = arith.constant 6 : i32
    %dma_wait3A_583 = arith.constant 0 : i32
    %dma_wait3A_584 = tpu.memref_slice %arg5[%dma_wait3A_582, %dma_wait3A_583] : memref<16x16xi32, #tpu.memory_space<vmem>> -> memref<1x16xi32, #tpu.memory_space<vmem>>
    %dma_wait3A_585 = tpu.memref_squeeze %dma_wait3A_584 : memref<1x16xi32, #tpu.memory_space<vmem>> -> memref<16xi32, #tpu.memory_space<vmem>>
    %dma_wait3A_586 = arith.constant 0 : i32
    %dma_wait3A_587 = arith.constant 0 : i32
    %dma_wait3A_588 = tpu.memref_slice %arg3[%dma_wait3A_586, %dma_wait3A_587] : memref<100000x2048xf32, #tpu.memory_space<hbm>> -> memref<100000x2048xf32, #tpu.memory_space<hbm>>
    tpu.wait_indirect_dma semaphore(%arg9 : memref<!tpu.dma_semaphore, #tpu.memory_space<semaphore_mem>>) src(%dma_wait3A_588 : memref<100000x2048xf32, #tpu.memory_space<hbm>>) dst(%arg6 : memref<16x2048xf32, #tpu.memory_space<vmem>>)
    %add3A_589 = arith.constant 96 : i32
    %add3A_590 = arith.addi %mul3A_2, %add3A_589 : i32
    %dma_start3A_591 = arith.constant 0 : i32
    %dma_start3A_592 = tpu.memref_slice %arg4[%add3A_590, %dma_start3A_591] : memref<8192x2048xf32, #tpu.memory_space<hbm>> -> memref<16x2048xf32, #tpu.memory_space<hbm>>
    %dma_start3A_593 = arith.constant 0 : i32
    %dma_start3A_594 = tpu.memref_slice %arg4[%add3A_590, %dma_start3A_593] : memref<8192x2048xf32, #tpu.memory_space<hbm>> -> memref<16x2048xf32, #tpu.memory_space<hbm>>
    tpu.enqueue_dma source(%arg6 : memref<16x2048xf32, #tpu.memory_space<vmem>>) target(%dma_start3A_594 : memref<16x2048xf32, #tpu.memory_space<hbm>>) target_semaphore(%arg13 : memref<!tpu.dma_semaphore, #tpu.memory_space<semaphore_mem>>)
    %dma_wait3A_595 = arith.constant 0 : i32
    %dma_wait3A_596 = tpu.memref_slice %arg4[%add3A_590, %dma_wait3A_595] : memref<8192x2048xf32, #tpu.memory_space<hbm>> -> memref<16x2048xf32, #tpu.memory_space<hbm>>
    %dma_wait3A_597 = arith.constant 0 : i32
    %dma_wait3A_598 = tpu.memref_slice %arg4[%add3A_590, %dma_wait3A_597] : memref<8192x2048xf32, #tpu.memory_space<hbm>> -> memref<16x2048xf32, #tpu.memory_space<hbm>>
    tpu.wait_dma2 semaphore(%arg13 : memref<!tpu.dma_semaphore, #tpu.memory_space<semaphore_mem>>) src(%arg6 : memref<16x2048xf32, #tpu.memory_space<vmem>>) dst(%dma_wait3A_598 : memref<16x2048xf32, #tpu.memory_space<hbm>>)
    %dma_start3A_599 = arith.constant 9 : i32
    %dma_start3A_600 = arith.constant 0 : i32
    %dma_start3A_601 = tpu.memref_slice %arg5[%dma_start3A_599, %dma_start3A_600] : memref<16x16xi32, #tpu.memory_space<vmem>> -> memref<1x16xi32, #tpu.memory_space<vmem>>
    %dma_start3A_602 = tpu.memref_squeeze %dma_start3A_601 : memref<1x16xi32, #tpu.memory_space<vmem>> -> memref<16xi32, #tpu.memory_space<vmem>>
    %dma_start3A_603 = arith.constant 0 : i32
    %dma_start3A_604 = arith.constant 0 : i32
    %dma_start3A_605 = tpu.memref_slice %arg3[%dma_start3A_603, %dma_start3A_604] : memref<100000x2048xf32, #tpu.memory_space<hbm>> -> memref<100000x2048xf32, #tpu.memory_space<hbm>>
    tpu.enqueue_indirect_dma source(%dma_start3A_605 : memref<100000x2048xf32, #tpu.memory_space<hbm>>) target(%arg6 : memref<16x2048xf32, #tpu.memory_space<vmem>>) offsets(%dma_start3A_602 : memref<16xi32, #tpu.memory_space<vmem>>) semaphore(%arg9 : memref<!tpu.dma_semaphore, #tpu.memory_space<semaphore_mem>>)
    %dma_wait3A_606 = arith.constant 7 : i32
    %dma_wait3A_607 = arith.constant 0 : i32
    %dma_wait3A_608 = tpu.memref_slice %arg5[%dma_wait3A_606, %dma_wait3A_607] : memref<16x16xi32, #tpu.memory_space<vmem>> -> memref<1x16xi32, #tpu.memory_space<vmem>>
    %dma_wait3A_609 = tpu.memref_squeeze %dma_wait3A_608 : memref<1x16xi32, #tpu.memory_space<vmem>> -> memref<16xi32, #tpu.memory_space<vmem>>
    %dma_wait3A_610 = arith.constant 0 : i32
    %dma_wait3A_611 = arith.constant 0 : i32
    %dma_wait3A_612 = tpu.memref_slice %arg3[%dma_wait3A_610, %dma_wait3A_611] : memref<100000x2048xf32, #tpu.memory_space<hbm>> -> memref<100000x2048xf32, #tpu.memory_space<hbm>>
    tpu.wait_indirect_dma semaphore(%arg10 : memref<!tpu.dma_semaphore, #tpu.memory_space<semaphore_mem>>) src(%dma_wait3A_612 : memref<100000x2048xf32, #tpu.memory_space<hbm>>) dst(%arg7 : memref<16x2048xf32, #tpu.memory_space<vmem>>)
    %add3A_613 = arith.constant 112 : i32
    %add3A_614 = arith.addi %mul3A_2, %add3A_613 : i32
    %dma_start3A_615 = arith.constant 0 : i32
    %dma_start3A_616 = tpu.memref_slice %arg4[%add3A_614, %dma_start3A_615] : memref<8192x2048xf32, #tpu.memory_space<hbm>> -> memref<16x2048xf32, #tpu.memory_space<hbm>>
    %dma_start3A_617 = arith.constant 0 : i32
    %dma_start3A_618 = tpu.memref_slice %arg4[%add3A_614, %dma_start3A_617] : memref<8192x2048xf32, #tpu.memory_space<hbm>> -> memref<16x2048xf32, #tpu.memory_space<hbm>>
    tpu.enqueue_dma source(%arg7 : memref<16x2048xf32, #tpu.memory_space<vmem>>) target(%dma_start3A_618 : memref<16x2048xf32, #tpu.memory_space<hbm>>) target_semaphore(%arg14 : memref<!tpu.dma_semaphore, #tpu.memory_space<semaphore_mem>>)
    %dma_wait3A_619 = arith.constant 0 : i32
    %dma_wait3A_620 = tpu.memref_slice %arg4[%add3A_614, %dma_wait3A_619] : memref<8192x2048xf32, #tpu.memory_space<hbm>> -> memref<16x2048xf32, #tpu.memory_space<hbm>>
    %dma_wait3A_621 = arith.constant 0 : i32
    %dma_wait3A_622 = tpu.memref_slice %arg4[%add3A_614, %dma_wait3A_621] : memref<8192x2048xf32, #tpu.memory_space<hbm>> -> memref<16x2048xf32, #tpu.memory_space<hbm>>
    tpu.wait_dma2 semaphore(%arg14 : memref<!tpu.dma_semaphore, #tpu.memory_space<semaphore_mem>>) src(%arg7 : memref<16x2048xf32, #tpu.memory_space<vmem>>) dst(%dma_wait3A_622 : memref<16x2048xf32, #tpu.memory_space<hbm>>)
    %dma_start3A_623 = arith.constant 10 : i32
    %dma_start3A_624 = arith.constant 0 : i32
    %dma_start3A_625 = tpu.memref_slice %arg5[%dma_start3A_623, %dma_start3A_624] : memref<16x16xi32, #tpu.memory_space<vmem>> -> memref<1x16xi32, #tpu.memory_space<vmem>>
    %dma_start3A_626 = tpu.memref_squeeze %dma_start3A_625 : memref<1x16xi32, #tpu.memory_space<vmem>> -> memref<16xi32, #tpu.memory_space<vmem>>
    %dma_start3A_627 = arith.constant 0 : i32
    %dma_start3A_628 = arith.constant 0 : i32
    %dma_start3A_629 = tpu.memref_slice %arg3[%dma_start3A_627, %dma_start3A_628] : memref<100000x2048xf32, #tpu.memory_space<hbm>> -> memref<100000x2048xf32, #tpu.memory_space<hbm>>
    tpu.enqueue_indirect_dma source(%dma_start3A_629 : memref<100000x2048xf32, #tpu.memory_space<hbm>>) target(%arg7 : memref<16x2048xf32, #tpu.memory_space<vmem>>) offsets(%dma_start3A_626 : memref<16xi32, #tpu.memory_space<vmem>>) semaphore(%arg10 : memref<!tpu.dma_semaphore, #tpu.memory_space<semaphore_mem>>)
    %dma_wait3A_630 = arith.constant 8 : i32
    %dma_wait3A_631 = arith.constant 0 : i32
    %dma_wait3A_632 = tpu.memref_slice %arg5[%dma_wait3A_630, %dma_wait3A_631] : memref<16x16xi32, #tpu.memory_space<vmem>> -> memref<1x16xi32, #tpu.memory_space<vmem>>
    %dma_wait3A_633 = tpu.memref_squeeze %dma_wait3A_632 : memref<1x16xi32, #tpu.memory_space<vmem>> -> memref<16xi32, #tpu.memory_space<vmem>>
    %dma_wait3A_634 = arith.constant 0 : i32
    %dma_wait3A_635 = arith.constant 0 : i32
    %dma_wait3A_636 = tpu.memref_slice %arg3[%dma_wait3A_634, %dma_wait3A_635] : memref<100000x2048xf32, #tpu.memory_space<hbm>> -> memref<100000x2048xf32, #tpu.memory_space<hbm>>
    tpu.wait_indirect_dma semaphore(%arg11 : memref<!tpu.dma_semaphore, #tpu.memory_space<semaphore_mem>>) src(%dma_wait3A_636 : memref<100000x2048xf32, #tpu.memory_space<hbm>>) dst(%arg8 : memref<16x2048xf32, #tpu.memory_space<vmem>>)
    %add3A_637 = arith.constant 128 : i32
    %add3A_638 = arith.addi %mul3A_2, %add3A_637 : i32
    %dma_start3A_639 = arith.constant 0 : i32
    %dma_start3A_640 = tpu.memref_slice %arg4[%add3A_638, %dma_start3A_639] : memref<8192x2048xf32, #tpu.memory_space<hbm>> -> memref<16x2048xf32, #tpu.memory_space<hbm>>
    %dma_start3A_641 = arith.constant 0 : i32
    %dma_start3A_642 = tpu.memref_slice %arg4[%add3A_638, %dma_start3A_641] : memref<8192x2048xf32, #tpu.memory_space<hbm>> -> memref<16x2048xf32, #tpu.memory_space<hbm>>
    tpu.enqueue_dma source(%arg8 : memref<16x2048xf32, #tpu.memory_space<vmem>>) target(%dma_start3A_642 : memref<16x2048xf32, #tpu.memory_space<hbm>>) target_semaphore(%arg15 : memref<!tpu.dma_semaphore, #tpu.memory_space<semaphore_mem>>)
    %dma_wait3A_643 = arith.constant 0 : i32
    %dma_wait3A_644 = tpu.memref_slice %arg4[%add3A_638, %dma_wait3A_643] : memref<8192x2048xf32, #tpu.memory_space<hbm>> -> memref<16x2048xf32, #tpu.memory_space<hbm>>
    %dma_wait3A_645 = arith.constant 0 : i32
    %dma_wait3A_646 = tpu.memref_slice %arg4[%add3A_638, %dma_wait3A_645] : memref<8192x2048xf32, #tpu.memory_space<hbm>> -> memref<16x2048xf32, #tpu.memory_space<hbm>>
    tpu.wait_dma2 semaphore(%arg15 : memref<!tpu.dma_semaphore, #tpu.memory_space<semaphore_mem>>) src(%arg8 : memref<16x2048xf32, #tpu.memory_space<vmem>>) dst(%dma_wait3A_646 : memref<16x2048xf32, #tpu.memory_space<hbm>>)
    %dma_start3A_647 = arith.constant 11 : i32
    %dma_start3A_648 = arith.constant 0 : i32
    %dma_start3A_649 = tpu.memref_slice %arg5[%dma_start3A_647, %dma_start3A_648] : memref<16x16xi32, #tpu.memory_space<vmem>> -> memref<1x16xi32, #tpu.memory_space<vmem>>
    %dma_start3A_650 = tpu.memref_squeeze %dma_start3A_649 : memref<1x16xi32, #tpu.memory_space<vmem>> -> memref<16xi32, #tpu.memory_space<vmem>>
    %dma_start3A_651 = arith.constant 0 : i32
    %dma_start3A_652 = arith.constant 0 : i32
    %dma_start3A_653 = tpu.memref_slice %arg3[%dma_start3A_651, %dma_start3A_652] : memref<100000x2048xf32, #tpu.memory_space<hbm>> -> memref<100000x2048xf32, #tpu.memory_space<hbm>>
    tpu.enqueue_indirect_dma source(%dma_start3A_653 : memref<100000x2048xf32, #tpu.memory_space<hbm>>) target(%arg8 : memref<16x2048xf32, #tpu.memory_space<vmem>>) offsets(%dma_start3A_650 : memref<16xi32, #tpu.memory_space<vmem>>) semaphore(%arg11 : memref<!tpu.dma_semaphore, #tpu.memory_space<semaphore_mem>>)
    %dma_wait3A_654 = arith.constant 9 : i32
    %dma_wait3A_655 = arith.constant 0 : i32
    %dma_wait3A_656 = tpu.memref_slice %arg5[%dma_wait3A_654, %dma_wait3A_655] : memref<16x16xi32, #tpu.memory_space<vmem>> -> memref<1x16xi32, #tpu.memory_space<vmem>>
    %dma_wait3A_657 = tpu.memref_squeeze %dma_wait3A_656 : memref<1x16xi32, #tpu.memory_space<vmem>> -> memref<16xi32, #tpu.memory_space<vmem>>
    %dma_wait3A_658 = arith.constant 0 : i32
    %dma_wait3A_659 = arith.constant 0 : i32
    %dma_wait3A_660 = tpu.memref_slice %arg3[%dma_wait3A_658, %dma_wait3A_659] : memref<100000x2048xf32, #tpu.memory_space<hbm>> -> memref<100000x2048xf32, #tpu.memory_space<hbm>>
    tpu.wait_indirect_dma semaphore(%arg9 : memref<!tpu.dma_semaphore, #tpu.memory_space<semaphore_mem>>) src(%dma_wait3A_660 : memref<100000x2048xf32, #tpu.memory_space<hbm>>) dst(%arg6 : memref<16x2048xf32, #tpu.memory_space<vmem>>)
    %add3A_661 = arith.constant 144 : i32
    %add3A_662 = arith.addi %mul3A_2, %add3A_661 : i32
    %dma_start3A_663 = arith.constant 0 : i32
    %dma_start3A_664 = tpu.memref_slice %arg4[%add3A_662, %dma_start3A_663] : memref<8192x2048xf32, #tpu.memory_space<hbm>> -> memref<16x2048xf32, #tpu.memory_space<hbm>>
    %dma_start3A_665 = arith.constant 0 : i32
    %dma_start3A_666 = tpu.memref_slice %arg4[%add3A_662, %dma_start3A_665] : memref<8192x2048xf32, #tpu.memory_space<hbm>> -> memref<16x2048xf32, #tpu.memory_space<hbm>>
    tpu.enqueue_dma source(%arg6 : memref<16x2048xf32, #tpu.memory_space<vmem>>) target(%dma_start3A_666 : memref<16x2048xf32, #tpu.memory_space<hbm>>) target_semaphore(%arg13 : memref<!tpu.dma_semaphore, #tpu.memory_space<semaphore_mem>>)
    %dma_wait3A_667 = arith.constant 0 : i32
    %dma_wait3A_668 = tpu.memref_slice %arg4[%add3A_662, %dma_wait3A_667] : memref<8192x2048xf32, #tpu.memory_space<hbm>> -> memref<16x2048xf32, #tpu.memory_space<hbm>>
    %dma_wait3A_669 = arith.constant 0 : i32
    %dma_wait3A_670 = tpu.memref_slice %arg4[%add3A_662, %dma_wait3A_669] : memref<8192x2048xf32, #tpu.memory_space<hbm>> -> memref<16x2048xf32, #tpu.memory_space<hbm>>
    tpu.wait_dma2 semaphore(%arg13 : memref<!tpu.dma_semaphore, #tpu.memory_space<semaphore_mem>>) src(%arg6 : memref<16x2048xf32, #tpu.memory_space<vmem>>) dst(%dma_wait3A_670 : memref<16x2048xf32, #tpu.memory_space<hbm>>)
    %dma_start3A_671 = arith.constant 12 : i32
    %dma_start3A_672 = arith.constant 0 : i32
    %dma_start3A_673 = tpu.memref_slice %arg5[%dma_start3A_671, %dma_start3A_672] : memref<16x16xi32, #tpu.memory_space<vmem>> -> memref<1x16xi32, #tpu.memory_space<vmem>>
    %dma_start3A_674 = tpu.memref_squeeze %dma_start3A_673 : memref<1x16xi32, #tpu.memory_space<vmem>> -> memref<16xi32, #tpu.memory_space<vmem>>
    %dma_start3A_675 = arith.constant 0 : i32
    %dma_start3A_676 = arith.constant 0 : i32
    %dma_start3A_677 = tpu.memref_slice %arg3[%dma_start3A_675, %dma_start3A_676] : memref<100000x2048xf32, #tpu.memory_space<hbm>> -> memref<100000x2048xf32, #tpu.memory_space<hbm>>
    tpu.enqueue_indirect_dma source(%dma_start3A_677 : memref<100000x2048xf32, #tpu.memory_space<hbm>>) target(%arg6 : memref<16x2048xf32, #tpu.memory_space<vmem>>) offsets(%dma_start3A_674 : memref<16xi32, #tpu.memory_space<vmem>>) semaphore(%arg9 : memref<!tpu.dma_semaphore, #tpu.memory_space<semaphore_mem>>)
    %dma_wait3A_678 = arith.constant 10 : i32
    %dma_wait3A_679 = arith.constant 0 : i32
    %dma_wait3A_680 = tpu.memref_slice %arg5[%dma_wait3A_678, %dma_wait3A_679] : memref<16x16xi32, #tpu.memory_space<vmem>> -> memref<1x16xi32, #tpu.memory_space<vmem>>
    %dma_wait3A_681 = tpu.memref_squeeze %dma_wait3A_680 : memref<1x16xi32, #tpu.memory_space<vmem>> -> memref<16xi32, #tpu.memory_space<vmem>>
    %dma_wait3A_682 = arith.constant 0 : i32
    %dma_wait3A_683 = arith.constant 0 : i32
    %dma_wait3A_684 = tpu.memref_slice %arg3[%dma_wait3A_682, %dma_wait3A_683] : memref<100000x2048xf32, #tpu.memory_space<hbm>> -> memref<100000x2048xf32, #tpu.memory_space<hbm>>
    tpu.wait_indirect_dma semaphore(%arg10 : memref<!tpu.dma_semaphore, #tpu.memory_space<semaphore_mem>>) src(%dma_wait3A_684 : memref<100000x2048xf32, #tpu.memory_space<hbm>>) dst(%arg7 : memref<16x2048xf32, #tpu.memory_space<vmem>>)
    %add3A_685 = arith.constant 160 : i32
    %add3A_686 = arith.addi %mul3A_2, %add3A_685 : i32
    %dma_start3A_687 = arith.constant 0 : i32
    %dma_start3A_688 = tpu.memref_slice %arg4[%add3A_686, %dma_start3A_687] : memref<8192x2048xf32, #tpu.memory_space<hbm>> -> memref<16x2048xf32, #tpu.memory_space<hbm>>
    %dma_start3A_689 = arith.constant 0 : i32
    %dma_start3A_690 = tpu.memref_slice %arg4[%add3A_686, %dma_start3A_689] : memref<8192x2048xf32, #tpu.memory_space<hbm>> -> memref<16x2048xf32, #tpu.memory_space<hbm>>
    tpu.enqueue_dma source(%arg7 : memref<16x2048xf32, #tpu.memory_space<vmem>>) target(%dma_start3A_690 : memref<16x2048xf32, #tpu.memory_space<hbm>>) target_semaphore(%arg14 : memref<!tpu.dma_semaphore, #tpu.memory_space<semaphore_mem>>)
    %dma_wait3A_691 = arith.constant 0 : i32
    %dma_wait3A_692 = tpu.memref_slice %arg4[%add3A_686, %dma_wait3A_691] : memref<8192x2048xf32, #tpu.memory_space<hbm>> -> memref<16x2048xf32, #tpu.memory_space<hbm>>
    %dma_wait3A_693 = arith.constant 0 : i32
    %dma_wait3A_694 = tpu.memref_slice %arg4[%add3A_686, %dma_wait3A_693] : memref<8192x2048xf32, #tpu.memory_space<hbm>> -> memref<16x2048xf32, #tpu.memory_space<hbm>>
    tpu.wait_dma2 semaphore(%arg14 : memref<!tpu.dma_semaphore, #tpu.memory_space<semaphore_mem>>) src(%arg7 : memref<16x2048xf32, #tpu.memory_space<vmem>>) dst(%dma_wait3A_694 : memref<16x2048xf32, #tpu.memory_space<hbm>>)
    %dma_start3A_695 = arith.constant 13 : i32
    %dma_start3A_696 = arith.constant 0 : i32
    %dma_start3A_697 = tpu.memref_slice %arg5[%dma_start3A_695, %dma_start3A_696] : memref<16x16xi32, #tpu.memory_space<vmem>> -> memref<1x16xi32, #tpu.memory_space<vmem>>
    %dma_start3A_698 = tpu.memref_squeeze %dma_start3A_697 : memref<1x16xi32, #tpu.memory_space<vmem>> -> memref<16xi32, #tpu.memory_space<vmem>>
    %dma_start3A_699 = arith.constant 0 : i32
    %dma_start3A_700 = arith.constant 0 : i32
    %dma_start3A_701 = tpu.memref_slice %arg3[%dma_start3A_699, %dma_start3A_700] : memref<100000x2048xf32, #tpu.memory_space<hbm>> -> memref<100000x2048xf32, #tpu.memory_space<hbm>>
    tpu.enqueue_indirect_dma source(%dma_start3A_701 : memref<100000x2048xf32, #tpu.memory_space<hbm>>) target(%arg7 : memref<16x2048xf32, #tpu.memory_space<vmem>>) offsets(%dma_start3A_698 : memref<16xi32, #tpu.memory_space<vmem>>) semaphore(%arg10 : memref<!tpu.dma_semaphore, #tpu.memory_space<semaphore_mem>>)
    %dma_wait3A_702 = arith.constant 11 : i32
    %dma_wait3A_703 = arith.constant 0 : i32
    %dma_wait3A_704 = tpu.memref_slice %arg5[%dma_wait3A_702, %dma_wait3A_703] : memref<16x16xi32, #tpu.memory_space<vmem>> -> memref<1x16xi32, #tpu.memory_space<vmem>>
    %dma_wait3A_705 = tpu.memref_squeeze %dma_wait3A_704 : memref<1x16xi32, #tpu.memory_space<vmem>> -> memref<16xi32, #tpu.memory_space<vmem>>
    %dma_wait3A_706 = arith.constant 0 : i32
    %dma_wait3A_707 = arith.constant 0 : i32
    %dma_wait3A_708 = tpu.memref_slice %arg3[%dma_wait3A_706, %dma_wait3A_707] : memref<100000x2048xf32, #tpu.memory_space<hbm>> -> memref<100000x2048xf32, #tpu.memory_space<hbm>>
    tpu.wait_indirect_dma semaphore(%arg11 : memref<!tpu.dma_semaphore, #tpu.memory_space<semaphore_mem>>) src(%dma_wait3A_708 : memref<100000x2048xf32, #tpu.memory_space<hbm>>) dst(%arg8 : memref<16x2048xf32, #tpu.memory_space<vmem>>)
    %add3A_709 = arith.constant 176 : i32
    %add3A_710 = arith.addi %mul3A_2, %add3A_709 : i32
    %dma_start3A_711 = arith.constant 0 : i32
    %dma_start3A_712 = tpu.memref_slice %arg4[%add3A_710, %dma_start3A_711] : memref<8192x2048xf32, #tpu.memory_space<hbm>> -> memref<16x2048xf32, #tpu.memory_space<hbm>>
    %dma_start3A_713 = arith.constant 0 : i32
    %dma_start3A_714 = tpu.memref_slice %arg4[%add3A_710, %dma_start3A_713] : memref<8192x2048xf32, #tpu.memory_space<hbm>> -> memref<16x2048xf32, #tpu.memory_space<hbm>>
    tpu.enqueue_dma source(%arg8 : memref<16x2048xf32, #tpu.memory_space<vmem>>) target(%dma_start3A_714 : memref<16x2048xf32, #tpu.memory_space<hbm>>) target_semaphore(%arg15 : memref<!tpu.dma_semaphore, #tpu.memory_space<semaphore_mem>>)
    %dma_wait3A_715 = arith.constant 0 : i32
    %dma_wait3A_716 = tpu.memref_slice %arg4[%add3A_710, %dma_wait3A_715] : memref<8192x2048xf32, #tpu.memory_space<hbm>> -> memref<16x2048xf32, #tpu.memory_space<hbm>>
    %dma_wait3A_717 = arith.constant 0 : i32
    %dma_wait3A_718 = tpu.memref_slice %arg4[%add3A_710, %dma_wait3A_717] : memref<8192x2048xf32, #tpu.memory_space<hbm>> -> memref<16x2048xf32, #tpu.memory_space<hbm>>
    tpu.wait_dma2 semaphore(%arg15 : memref<!tpu.dma_semaphore, #tpu.memory_space<semaphore_mem>>) src(%arg8 : memref<16x2048xf32, #tpu.memory_space<vmem>>) dst(%dma_wait3A_718 : memref<16x2048xf32, #tpu.memory_space<hbm>>)
    %dma_start3A_719 = arith.constant 14 : i32
    %dma_start3A_720 = arith.constant 0 : i32
    %dma_start3A_721 = tpu.memref_slice %arg5[%dma_start3A_719, %dma_start3A_720] : memref<16x16xi32, #tpu.memory_space<vmem>> -> memref<1x16xi32, #tpu.memory_space<vmem>>
    %dma_start3A_722 = tpu.memref_squeeze %dma_start3A_721 : memref<1x16xi32, #tpu.memory_space<vmem>> -> memref<16xi32, #tpu.memory_space<vmem>>
    %dma_start3A_723 = arith.constant 0 : i32
    %dma_start3A_724 = arith.constant 0 : i32
    %dma_start3A_725 = tpu.memref_slice %arg3[%dma_start3A_723, %dma_start3A_724] : memref<100000x2048xf32, #tpu.memory_space<hbm>> -> memref<100000x2048xf32, #tpu.memory_space<hbm>>
    tpu.enqueue_indirect_dma source(%dma_start3A_725 : memref<100000x2048xf32, #tpu.memory_space<hbm>>) target(%arg8 : memref<16x2048xf32, #tpu.memory_space<vmem>>) offsets(%dma_start3A_722 : memref<16xi32, #tpu.memory_space<vmem>>) semaphore(%arg11 : memref<!tpu.dma_semaphore, #tpu.memory_space<semaphore_mem>>)
    %dma_wait3A_726 = arith.constant 12 : i32
    %dma_wait3A_727 = arith.constant 0 : i32
    %dma_wait3A_728 = tpu.memref_slice %arg5[%dma_wait3A_726, %dma_wait3A_727] : memref<16x16xi32, #tpu.memory_space<vmem>> -> memref<1x16xi32, #tpu.memory_space<vmem>>
    %dma_wait3A_729 = tpu.memref_squeeze %dma_wait3A_728 : memref<1x16xi32, #tpu.memory_space<vmem>> -> memref<16xi32, #tpu.memory_space<vmem>>
    %dma_wait3A_730 = arith.constant 0 : i32
    %dma_wait3A_731 = arith.constant 0 : i32
    %dma_wait3A_732 = tpu.memref_slice %arg3[%dma_wait3A_730, %dma_wait3A_731] : memref<100000x2048xf32, #tpu.memory_space<hbm>> -> memref<100000x2048xf32, #tpu.memory_space<hbm>>
    tpu.wait_indirect_dma semaphore(%arg9 : memref<!tpu.dma_semaphore, #tpu.memory_space<semaphore_mem>>) src(%dma_wait3A_732 : memref<100000x2048xf32, #tpu.memory_space<hbm>>) dst(%arg6 : memref<16x2048xf32, #tpu.memory_space<vmem>>)
    %add3A_733 = arith.constant 192 : i32
    %add3A_734 = arith.addi %mul3A_2, %add3A_733 : i32
    %dma_start3A_735 = arith.constant 0 : i32
    %dma_start3A_736 = tpu.memref_slice %arg4[%add3A_734, %dma_start3A_735] : memref<8192x2048xf32, #tpu.memory_space<hbm>> -> memref<16x2048xf32, #tpu.memory_space<hbm>>
    %dma_start3A_737 = arith.constant 0 : i32
    %dma_start3A_738 = tpu.memref_slice %arg4[%add3A_734, %dma_start3A_737] : memref<8192x2048xf32, #tpu.memory_space<hbm>> -> memref<16x2048xf32, #tpu.memory_space<hbm>>
    tpu.enqueue_dma source(%arg6 : memref<16x2048xf32, #tpu.memory_space<vmem>>) target(%dma_start3A_738 : memref<16x2048xf32, #tpu.memory_space<hbm>>) target_semaphore(%arg13 : memref<!tpu.dma_semaphore, #tpu.memory_space<semaphore_mem>>)
    %dma_wait3A_739 = arith.constant 0 : i32
    %dma_wait3A_740 = tpu.memref_slice %arg4[%add3A_734, %dma_wait3A_739] : memref<8192x2048xf32, #tpu.memory_space<hbm>> -> memref<16x2048xf32, #tpu.memory_space<hbm>>
    %dma_wait3A_741 = arith.constant 0 : i32
    %dma_wait3A_742 = tpu.memref_slice %arg4[%add3A_734, %dma_wait3A_741] : memref<8192x2048xf32, #tpu.memory_space<hbm>> -> memref<16x2048xf32, #tpu.memory_space<hbm>>
    tpu.wait_dma2 semaphore(%arg13 : memref<!tpu.dma_semaphore, #tpu.memory_space<semaphore_mem>>) src(%arg6 : memref<16x2048xf32, #tpu.memory_space<vmem>>) dst(%dma_wait3A_742 : memref<16x2048xf32, #tpu.memory_space<hbm>>)
    %dma_start3A_743 = arith.constant 15 : i32
    %dma_start3A_744 = arith.constant 0 : i32
    %dma_start3A_745 = tpu.memref_slice %arg5[%dma_start3A_743, %dma_start3A_744] : memref<16x16xi32, #tpu.memory_space<vmem>> -> memref<1x16xi32, #tpu.memory_space<vmem>>
    %dma_start3A_746 = tpu.memref_squeeze %dma_start3A_745 : memref<1x16xi32, #tpu.memory_space<vmem>> -> memref<16xi32, #tpu.memory_space<vmem>>
    %dma_start3A_747 = arith.constant 0 : i32
    %dma_start3A_748 = arith.constant 0 : i32
    %dma_start3A_749 = tpu.memref_slice %arg3[%dma_start3A_747, %dma_start3A_748] : memref<100000x2048xf32, #tpu.memory_space<hbm>> -> memref<100000x2048xf32, #tpu.memory_space<hbm>>
    tpu.enqueue_indirect_dma source(%dma_start3A_749 : memref<100000x2048xf32, #tpu.memory_space<hbm>>) target(%arg6 : memref<16x2048xf32, #tpu.memory_space<vmem>>) offsets(%dma_start3A_746 : memref<16xi32, #tpu.memory_space<vmem>>) semaphore(%arg9 : memref<!tpu.dma_semaphore, #tpu.memory_space<semaphore_mem>>)
    %dma_wait3A_750 = arith.constant 13 : i32
    %dma_wait3A_751 = arith.constant 0 : i32
    %dma_wait3A_752 = tpu.memref_slice %arg5[%dma_wait3A_750, %dma_wait3A_751] : memref<16x16xi32, #tpu.memory_space<vmem>> -> memref<1x16xi32, #tpu.memory_space<vmem>>
    %dma_wait3A_753 = tpu.memref_squeeze %dma_wait3A_752 : memref<1x16xi32, #tpu.memory_space<vmem>> -> memref<16xi32, #tpu.memory_space<vmem>>
    %dma_wait3A_754 = arith.constant 0 : i32
    %dma_wait3A_755 = arith.constant 0 : i32
    %dma_wait3A_756 = tpu.memref_slice %arg3[%dma_wait3A_754, %dma_wait3A_755] : memref<100000x2048xf32, #tpu.memory_space<hbm>> -> memref<100000x2048xf32, #tpu.memory_space<hbm>>
    tpu.wait_indirect_dma semaphore(%arg10 : memref<!tpu.dma_semaphore, #tpu.memory_space<semaphore_mem>>) src(%dma_wait3A_756 : memref<100000x2048xf32, #tpu.memory_space<hbm>>) dst(%arg7 : memref<16x2048xf32, #tpu.memory_space<vmem>>)
    %add3A_757 = arith.constant 208 : i32
    %add3A_758 = arith.addi %mul3A_2, %add3A_757 : i32
    %dma_start3A_759 = arith.constant 0 : i32
    %dma_start3A_760 = tpu.memref_slice %arg4[%add3A_758, %dma_start3A_759] : memref<8192x2048xf32, #tpu.memory_space<hbm>> -> memref<16x2048xf32, #tpu.memory_space<hbm>>
    %dma_start3A_761 = arith.constant 0 : i32
    %dma_start3A_762 = tpu.memref_slice %arg4[%add3A_758, %dma_start3A_761] : memref<8192x2048xf32, #tpu.memory_space<hbm>> -> memref<16x2048xf32, #tpu.memory_space<hbm>>
    tpu.enqueue_dma source(%arg7 : memref<16x2048xf32, #tpu.memory_space<vmem>>) target(%dma_start3A_762 : memref<16x2048xf32, #tpu.memory_space<hbm>>) target_semaphore(%arg14 : memref<!tpu.dma_semaphore, #tpu.memory_space<semaphore_mem>>)
    %dma_wait3A_763 = arith.constant 14 : i32
    %dma_wait3A_764 = arith.constant 0 : i32
    %dma_wait3A_765 = tpu.memref_slice %arg5[%dma_wait3A_763, %dma_wait3A_764] : memref<16x16xi32, #tpu.memory_space<vmem>> -> memref<1x16xi32, #tpu.memory_space<vmem>>
    %dma_wait3A_766 = tpu.memref_squeeze %dma_wait3A_765 : memref<1x16xi32, #tpu.memory_space<vmem>> -> memref<16xi32, #tpu.memory_space<vmem>>
    %dma_wait3A_767 = arith.constant 0 : i32
    %dma_wait3A_768 = arith.constant 0 : i32
    %dma_wait3A_769 = tpu.memref_slice %arg3[%dma_wait3A_767, %dma_wait3A_768] : memref<100000x2048xf32, #tpu.memory_space<hbm>> -> memref<100000x2048xf32, #tpu.memory_space<hbm>>
    tpu.wait_indirect_dma semaphore(%arg11 : memref<!tpu.dma_semaphore, #tpu.memory_space<semaphore_mem>>) src(%dma_wait3A_769 : memref<100000x2048xf32, #tpu.memory_space<hbm>>) dst(%arg8 : memref<16x2048xf32, #tpu.memory_space<vmem>>)
    %add3A_770 = arith.constant 224 : i32
    %add3A_771 = arith.addi %mul3A_2, %add3A_770 : i32
    %dma_start3A_772 = arith.constant 0 : i32
    %dma_start3A_773 = tpu.memref_slice %arg4[%add3A_771, %dma_start3A_772] : memref<8192x2048xf32, #tpu.memory_space<hbm>> -> memref<16x2048xf32, #tpu.memory_space<hbm>>
    %dma_start3A_774 = arith.constant 0 : i32
    %dma_start3A_775 = tpu.memref_slice %arg4[%add3A_771, %dma_start3A_774] : memref<8192x2048xf32, #tpu.memory_space<hbm>> -> memref<16x2048xf32, #tpu.memory_space<hbm>>
    tpu.enqueue_dma source(%arg8 : memref<16x2048xf32, #tpu.memory_space<vmem>>) target(%dma_start3A_775 : memref<16x2048xf32, #tpu.memory_space<hbm>>) target_semaphore(%arg15 : memref<!tpu.dma_semaphore, #tpu.memory_space<semaphore_mem>>)
    %dma_wait3A_776 = arith.constant 15 : i32
    %dma_wait3A_777 = arith.constant 0 : i32
    %dma_wait3A_778 = tpu.memref_slice %arg5[%dma_wait3A_776, %dma_wait3A_777] : memref<16x16xi32, #tpu.memory_space<vmem>> -> memref<1x16xi32, #tpu.memory_space<vmem>>
    %dma_wait3A_779 = tpu.memref_squeeze %dma_wait3A_778 : memref<1x16xi32, #tpu.memory_space<vmem>> -> memref<16xi32, #tpu.memory_space<vmem>>
    %dma_wait3A_780 = arith.constant 0 : i32
    %dma_wait3A_781 = arith.constant 0 : i32
    %dma_wait3A_782 = tpu.memref_slice %arg3[%dma_wait3A_780, %dma_wait3A_781] : memref<100000x2048xf32, #tpu.memory_space<hbm>> -> memref<100000x2048xf32, #tpu.memory_space<hbm>>
    tpu.wait_indirect_dma semaphore(%arg9 : memref<!tpu.dma_semaphore, #tpu.memory_space<semaphore_mem>>) src(%dma_wait3A_782 : memref<100000x2048xf32, #tpu.memory_space<hbm>>) dst(%arg6 : memref<16x2048xf32, #tpu.memory_space<vmem>>)
    %add3A_783 = arith.constant 240 : i32
    %add3A_784 = arith.addi %mul3A_2, %add3A_783 : i32
    %dma_start3A_785 = arith.constant 0 : i32
    %dma_start3A_786 = tpu.memref_slice %arg4[%add3A_784, %dma_start3A_785] : memref<8192x2048xf32, #tpu.memory_space<hbm>> -> memref<16x2048xf32, #tpu.memory_space<hbm>>
    %dma_start3A_787 = arith.constant 0 : i32
    %dma_start3A_788 = tpu.memref_slice %arg4[%add3A_784, %dma_start3A_787] : memref<8192x2048xf32, #tpu.memory_space<hbm>> -> memref<16x2048xf32, #tpu.memory_space<hbm>>
    tpu.enqueue_dma source(%arg6 : memref<16x2048xf32, #tpu.memory_space<vmem>>) target(%dma_start3A_788 : memref<16x2048xf32, #tpu.memory_space<hbm>>) target_semaphore(%arg13 : memref<!tpu.dma_semaphore, #tpu.memory_space<semaphore_mem>>)
    %dma_wait3A_789 = arith.constant 0 : i32
    %dma_wait3A_790 = tpu.memref_slice %arg4[%add3A_758, %dma_wait3A_789] : memref<8192x2048xf32, #tpu.memory_space<hbm>> -> memref<16x2048xf32, #tpu.memory_space<hbm>>
    %dma_wait3A_791 = arith.constant 0 : i32
    %dma_wait3A_792 = tpu.memref_slice %arg4[%add3A_758, %dma_wait3A_791] : memref<8192x2048xf32, #tpu.memory_space<hbm>> -> memref<16x2048xf32, #tpu.memory_space<hbm>>
    tpu.wait_dma2 semaphore(%arg14 : memref<!tpu.dma_semaphore, #tpu.memory_space<semaphore_mem>>) src(%arg7 : memref<16x2048xf32, #tpu.memory_space<vmem>>) dst(%dma_wait3A_792 : memref<16x2048xf32, #tpu.memory_space<hbm>>)
    %dma_wait3A_793 = arith.constant 0 : i32
    %dma_wait3A_794 = tpu.memref_slice %arg4[%add3A_771, %dma_wait3A_793] : memref<8192x2048xf32, #tpu.memory_space<hbm>> -> memref<16x2048xf32, #tpu.memory_space<hbm>>
    %dma_wait3A_795 = arith.constant 0 : i32
    %dma_wait3A_796 = tpu.memref_slice %arg4[%add3A_771, %dma_wait3A_795] : memref<8192x2048xf32, #tpu.memory_space<hbm>> -> memref<16x2048xf32, #tpu.memory_space<hbm>>
    tpu.wait_dma2 semaphore(%arg15 : memref<!tpu.dma_semaphore, #tpu.memory_space<semaphore_mem>>) src(%arg8 : memref<16x2048xf32, #tpu.memory_space<vmem>>) dst(%dma_wait3A_796 : memref<16x2048xf32, #tpu.memory_space<hbm>>)
    %dma_wait3A_797 = arith.constant 0 : i32
    %dma_wait3A_798 = tpu.memref_slice %arg4[%add3A_784, %dma_wait3A_797] : memref<8192x2048xf32, #tpu.memory_space<hbm>> -> memref<16x2048xf32, #tpu.memory_space<hbm>>
    %dma_wait3A_799 = arith.constant 0 : i32
    %dma_wait3A_800 = tpu.memref_slice %arg4[%add3A_784, %dma_wait3A_799] : memref<8192x2048xf32, #tpu.memory_space<hbm>> -> memref<16x2048xf32, #tpu.memory_space<hbm>>
    tpu.wait_dma2 semaphore(%arg13 : memref<!tpu.dma_semaphore, #tpu.memory_space<semaphore_mem>>) src(%arg6 : memref<16x2048xf32, #tpu.memory_space<vmem>>) dst(%dma_wait3A_800 : memref<16x2048xf32, #tpu.memory_space<hbm>>)
    return
  }
}

</mosaic_0001>

<sc_bundles>
// kernel: kernel.3.cloned.1.call-start
scs
__scs_entry_jumppad:
0x0: {  	(pc) =	sbr.rel $0x88, $3  }
0x1: {  	(tag) =	ssettag $0x0;
	lr =	simm.s32 $0x1  }
0x2: {  	[smem:$0x3F9F] =	sst lr;
	_ =	strace $0xD0000000  }
0x3: {  	_ = 	snop  }
0x4: {  	_ = 	snop  }
0x5: {  	_ = 	snop  }
0x6: {  	_ = 	snop  }
0x7: {  	_ = 	snop  }
__scs_overlays_trampoline_lowered:
0x8: {  	[smem:$0x3FAE] =	sst s0  }
0x9: {  	[smem:$0x3FAF] =	sst s1  }
0xa: {  	[smem:$0x3FB0] =	sst s2  }
0xb: {  	[smem:$0x3FB1] =	sst s3  }
0xc: {  	[smem:$0x3FB2] =	sst s4  }
0xd: {  	[smem:$0x3FB3] =	sst s5  }
0xe: {  	[smem:$0x3FB4] =	sst s6  }
0xf: {  	[smem:$0x3FB5] =	sst s7  }
0x10: {  	[smem:$0x3FB6] =	sst s8  }
0x11: {  	[smem:$0x3FB7] =	sst s9;
	s0 =	simm.s32 @!p0 $0x0  }
0x12: {  	s1 =	sld [smem:$0x3F9D];
	s0 =	simm.s32 @p0 $0x1  }
0x13: {  	[smem:$0x3FB8] =	sst s0;
	s0 =	simm.s32 @!p1 $0x0  }
0x14: {  	s2 =	sld [smem:$0x3F9C];
	s0 =	simm.s32 @p1 $0x1  }
0x15: {  	[smem:$0x3FB9] =	sst s0;
	s0 =	simm.s32 @!p2 $0x0  }
0x16: {  	s3 =	sld [smem:$0x3FDB];
	s0 =	simm.s32 @p2 $0x1  }
0x17: {  	s4 =	simm.s32 $0x1BF5;
	[smem:$0x3FBB] =	sst s0  }
0x18: {  	s0 =	sld [smem:$0x3F9E];
	_ =	swait.ge [sflag:s4], $0x0  }
0x19: {  	s7 =	sld [smem:$0x3F9F]  }
0x1a: {  	s8 =	sadd.s32 $0xFFFFE003, lr  }
0x1b: {  	s9 =	sadd.s32 $0xFFFFFEF7, lr;
	s5 =	simm.s32 $0xFFFFFFFF;
	p2 =	slt.u32 s8, $0xFFFFF086  }
0x1c: {  	p1 =	slt.u32 s9, $0xF7A;
	s5 =	simm.s32 @!p2 $0x0  }
0x1d: {  	s5 =	simm.s32 @p1 $0x1;
	p0 =	seq.s32 s7, s2  }
0x1e: {  	s7 =	smul.u32 @!p0 $0xF7A, s2;
	p2 =	seq.s32 @!p0 s5, $0x0  }
0x1f: {  	s9 =	smul.u32 $0xF7A, s1;
	s8 =	simm.s32 @!p0 $0x1BF5;
	p2 =	por !p2, p0  }
0x20: {  	[sflag:s8] =	ssyncset.s32 @!p0 $0xFFFFF086;
	s6 =	sadd.s32 @!p0 s3, s7;
	s7 =	simm.s32 @!p0 $0x108  }
0x21: {  	s3 =	sadd.s32 s3, s9;
	s6 =	sadd.s32 @!p0 $0x88, s6;
	s7 =	simm.s32 @p2 $0x1082  }
0x22: {  	[simem:s7], [sflag:s8] =	dma.local @!p0 [hbm:s6], $0xF7A  }
0x23: {  	s9 =	sor.u32 $0xD0000000, s2;
	s6 =	simm.s32 $0x108;
	_ =	swait.ge @!p0 [sflag:s8], $0x0  }
0x24: {  	s3 =	sadd.s32 $0x88, s3;
	s6 =	simm.s32 @!p1 $0x1082;
	[sflag:s4] =	ssyncset.s32 $0xFFFFF086  }
0x25: {  	[simem:s6], [sflag:s4] =	dma.local [hbm:s3], $0xF7A  }
0x26: {  	[smem:$0x3F9F] =	sst s1;
	(tag) =	ssettag s2;
	_ =	strace s9  }
0x27: {  	s1 =	sld [smem:$0x3FAF]  }
0x28: {  	s2 =	sld [smem:$0x3FB0]  }
0x29: {  	s4 =	sld [smem:$0x3FB2]  }
0x2a: {  	p0 =	seq.s32 s5, $0x0;
	s5 =	sld [smem:$0x3FB3]  }
0x2b: {  	s6 =	sld [smem:$0x3FB4]  }
0x2c: {  	s7 =	sld [smem:$0x3FB5]  }
0x2d: {  	s3 =	simm.s32 $0x108;
	s8 =	sld [smem:$0x3FB6]  }
0x2e: {  	s3 =	simm.s32 @!p0 $0x1082;
	s9 =	sld [smem:$0x3FB7]  }
0x2f: {  	lr =	sadd.s32 s0, s3;
	s0 =	sld [smem:$0x3FAE]  }
0x30: {  	s3 =	sld [smem:$0x3FB1]  }
0x31: {  	[smem:$0x3FBA] =	sst s10  }
0x32: {  	s10 =	sld [smem:$0x3FB8];
	_ =	sdelay $0x3  }
0x33: {  	p0 =	seq.s32 s10, $0x1;
	s10 =	sld [smem:$0x3FBA];
	_ =	sdelay $0x3  }
0x34: {  	[smem:$0x3FBA] =	sst s10  }
0x35: {  	s10 =	sld [smem:$0x3FB9];
	_ =	sdelay $0x3  }
0x36: {  	p1 =	seq.s32 s10, $0x1;
	s10 =	sld [smem:$0x3FBA];
	_ =	sdelay $0x3  }
0x37: {  	[smem:$0x3FBA] =	sst s10  }
0x38: {  	s10 =	sld [smem:$0x3FBB]  }
0x39: {  	_ = 	snop;
	(pc) =	sbr.ind lr, $3  }
0x3a: {  	_ = 	snop  }
0x3b: {  	_ = 	snop  }
0x3c: {  	p2 =	seq.s32 s10, $0x1;
	s10 =	sld [smem:$0x3FBA]  }
0x3d: {  	_ =	shalt  }
0x3e: {  	_ =	shalt  }
0x3f: {  	_ =	shalt  }
0x40: {  	_ =	shalt  }
0x41: {  	_ =	shalt  }
0x42: {  	_ =	shalt  }
0x43: {  	_ =	shalt  }
0x44: {  	_ =	shalt  }
0x45: {  	_ =	shalt  }
0x46: {  	_ =	shalt  }
0x47: {  	_ =	shalt  }
0x48: {  	_ =	shalt  }
0x49: {  	_ =	shalt  }
0x4a: {  	_ =	shalt  }
0x4b: {  	_ =	shalt  }
0x4c: {  	_ =	shalt  }
0x4d: {  	_ =	shalt  }
0x4e: {  	_ =	shalt  }
0x4f: {  	_ =	shalt  }
0x50: {  	_ =	shalt  }
0x51: {  	_ =	shalt  }
0x52: {  	_ =	shalt  }
0x53: {  	_ =	shalt  }
0x54: {  	_ =	shalt  }
0x55: {  	_ =	shalt  }
0x56: {  	_ =	shalt  }
0x57: {  	_ =	shalt  }
0x58: {  	_ =	shalt  }
0x59: {  	_ =	shalt  }
0x5a: {  	_ =	shalt  }
0x5b: {  	_ =	shalt  }
0x5c: {  	_ =	shalt  }
0x5d: {  	_ =	shalt  }
0x5e: {  	_ =	shalt  }
0x5f: {  	_ =	shalt  }
0x60: {  	_ =	shalt  }
0x61: {  	_ =	shalt  }
0x62: {  	_ =	shalt  }
0x63: {  	_ =	shalt  }
0x64: {  	_ =	shalt  }
0x65: {  	_ =	shalt  }
0x66: {  	_ =	shalt  }
0x67: {  	_ =	shalt  }
0x68: {  	_ =	shalt  }
0x69: {  	_ =	shalt  }
0x6a: {  	_ =	shalt  }
0x6b: {  	_ =	shalt  }
0x6c: {  	_ =	shalt  }
0x6d: {  	_ =	shalt  }
0x6e: {  	_ =	shalt  }
0x6f: {  	_ =	shalt  }
0x70: {  	_ =	shalt  }
0x71: {  	_ =	shalt  }
0x72: {  	_ =	shalt  }
0x73: {  	_ =	shalt  }
0x74: {  	_ =	shalt  }
0x75: {  	_ =	shalt  }
0x76: {  	_ =	shalt  }
0x77: {  	_ =	shalt  }
0x78: {  	_ =	shalt  }
0x79: {  	_ =	shalt  }
0x7a: {  	_ =	shalt  }
0x7b: {  	_ =	shalt  }
0x7c: {  	_ =	shalt  }
0x7d: {  	_ =	shalt  }
0x7e: {  	_ =	shalt  }
0x7f: {  	_ =	shalt  }
0x80: {  	_ =	shalt  }
0x81: {  	_ =	shalt  }
0x82: {  	_ =	shalt  }
0x83: {  	_ =	shalt  }
0x84: {  	_ =	shalt  }
0x85: {  	_ =	shalt  }
0x86: {  	_ =	shalt  }
0x87: {  	_ =	shalt  }
.Lfunc_end0:
.L_simem_size_0:
called_computation_lowered:
.L_overlay_start_0:
0x88: {  	s2 =	sld [smem:$0x3FD9]  }
0x89: {  	s3 =	sld [smem:$0x3FFE];
	_ =	sdelay $0x1  }
0x8a: {  	s1 =	srdreg.scid  }
0x8b: {  	s0 =	sand.u32 $0x1, s1  }
0x8c: {  	s18 =	sshll.u32 s0, $0xA;
	s2 =	sadd.s32 s3, s2  }
0x8d: {  	s2 =	sadd.s32 s2, s18  }
0x8e: {  	[smem:$0x3FC6] =	sst s2  }
0x8f: {  	_ = 	snop  }
0x90: {  	s2 =	sld [smem:$0x3FC9]  }
0x91: {  	s19 =	sld [smem:$0x3FC8]  }
0x92: {  	s4 =	sld [smem:$0x3FD0];
	(tm) =	ssettm $0x1  }
0x93: {  	s5 =	sld [smem:$0x3FFB];
	_ =	sdelay $0x3  }
0x94: {  	_ =	strace s5  }
0x95: {  	s5 =	sld [smem:$0x3FFC];
	_ =	sdelay $0x3  }
0x96: {  	_ =	strace s5  }
0x97: {  	s5 =	sld [smem:$0x3FFD];
	_ =	sdelay $0x3  }
0x98: {  	_ =	strace s5  }
0x99: {  	_ =	strace $0x8FFFFFFF  }
0x9a: {  	s20 =	sld [smem:$0x3FDB];
	_ =	sdelay $0x1  }
0x9b: {  	s6 =	simm.s32 $_scs_section_size  }
0x9c: {  	s7 =	simm.s32 $_size__tile_overlayer_lowered;
	s8 =	simm.s32 $_tile_overlayer_lowered  }
0x9d: {  	s23 =	simm.s32 $0x1BFF;
	s22 =	sshll.u32 s8, $0x1;
	s5 =	sadd.s32 s6, s20  }
0x9e: {  	s9 =	simm.s32 $0x0;
	s21 =	sshll.u32 s7, $0x1;
	s7 =	sadd.s32 s22, s5  }
0x9f: {  	[timem:s9], [sflag:s23] =	dma.local [hbm:s7], s21  }
0xa0: {  	_ =	swait.ge [sflag:s23], s21  }
0xa1: {  	s6 =	ssub.s32 $0x0, s21;
	[sflag:s23] =	ssyncset.done $0x0  }
0xa2: {  	[sflag:s23] =	ssyncadd.s32 s6;
	_ =	sdelay $0x1  }
0xa3: {  	s24 =	simm.s32 $0x1B8B  }
0xa4: {  	_ =	swait.ge [sflag:s24], $0x1  }
0xa5: {  	[sflag:s24] =	ssyncset.done $0x0  }
0xa6: {  	s25 =	simm.s32 $0x1B8E;
	[sflag:s24] =	ssyncadd.s32 $0xFFFFFFFF  }
0xa7: {  	s26 =	simm.s32 $execute0_lowered;
	[smem:$0x3FD2] =	sst s25  }
0xa8: {  	s6 =	sshll.u32 s26, $0x1;
	_ =	strace $0x80000046;
	[dreg:$0x1] =	wrdreg $0xFFFFFFFF  }
0xa9: {  	s28 =	simm.s32 $_size_execute0_lowered;
	s5 =	sadd.s32 s5, s6;
	[dreg:$0x0] =	wrdreg $0x0  }
0xaa: {  	s6 =	sshll.u32 s28, $0x1;
	[dreg:$0x2] =	wrdreg s5  }
0xab: {  	[dreg:$0x3] =	wrdreg s6  }
0xac: {  	[dreg:$0x4] =	wrdreg $0xC0  }
0xad: {  	_ =	task [dreg:s9], $0x5FFFF  }
0xae: {  	[dreg:$0x1] =	wrdreg $0xFFFFFFFF  }
0xaf: {  	[dreg:$0x0] =	wrdreg $0x60  }
0xb0: {  	[dreg:$0x2] =	wrdreg s2  }
0xb1: {  	[dreg:$0x3] =	wrdreg s19  }
0xb2: {  	[dreg:$0x4] =	wrdreg s4  }
0xb3: {  	[dreg:$0x5] =	wrdreg $0x9  }
0xb4: {  	_ =	task.clear_ibuf [dreg:s9], $0x6FFFF;
	_ =	strace $0x90000046  }
0xb5: {  	s29 =	simm.s32 $0x9;
	_ =	strace $0x80000048  }
0xb6: {  	_ =	swait.ge [sflag:s29], $0x1  }
0xb7: {  	[sflag:s29] =	ssyncadd.s32 $0xFFFFFFFF  }
0xb8: {  	_ =	strace $0x90000048  }
0xb9: {  	_ =	sfence  }
0xba: {  	s30 =	sld [smem:$0x0];
	_ =	sdelay $0x2  }
0xbb: {  	s31 =	sshll.u32 s1, $0xD;
	s1 =	sshrl.u32 s1, $0x2  }
0xbc: {  	s3 =	sand.u32 $0x4000, s31;
	s1 =	sadd.s32 s1, s30  }
0xbd: {  	s0 =	sor.u32 s3, s0;
	s1 =	sshll.u32 s1, $0x11  }
0xbe: {  	s0 =	sor.u32 s1, s0  }
0xbf: {  	s0 =	sadd.s32 $0x8F2B, s0  }
0xc0: {  	[sflag:s0] =	ssyncadd.remote.s32 $0x1  }
0xc1: {  	_ =	sfence.sel $0xFFFF  }
0xc2: {  	[dreg:$0x0] =	wrdreg $0xFFFFFFFF;
	(pc) =	sbr.abs _section_cstart, $3  }
0xc3: {  	[dreg:$0x1] =	wrdreg $0xFFFFFFFF  }
0xc4: {  	_ =	task.clear_ibuf [dreg:s9], $0x2FFFF;
	_ =	strace $0x9FFFFFFF  }
0xc5: {  	(tm) =	ssettm $0x7FFFFFFF  }
tec
execute0_lowered:
.L_overlay_start_1:
0x0: {  	(tag) =	ssettag $0x1  }
0x1: {  	s0 =	srdreg.scid  }
0x2: {  	s7 =	stileid.u32;
	s1 =	rddreg [dreg:$0x0]  }
0x3: {  	s2 =	rddreg [dreg:$0x1];
	s0 =	sand.u32 $0x1, s0;
	s3 =	sshll.u32 s7, $0x1  }
0x4: {  	s5 =	rddreg [dreg:$0x2];
	s4 =	sor.u32 s0, s3  }
0x5: {  	s3 =	simm.s32 $0x0;
	s6 =	sshll.u32 s4, $0x7;
	s4 =	sshll.u32 s4, $0x10  }
0x6: {  	[smem:$0x7FF] =	sst s3;
	s4 =	sadd.s32 s5, s4  }
0x7: {  	_ =	strace $0x80000047;
	s26 =	sadd.s32 $0x1000, s4;
	[smem:$0x7ED] =	sst s4  }
0x8: {  	s28 =	sadd.s32 $0x2000, s4;
	[dreg:$0x14] =	wrdreg s26  }
0x9: {  	s29 =	sadd.s32 $0x3000, s4;
	[dreg:$0x15] =	wrdreg s28  }
0xa: {  	s30 =	sadd.s32 $0x4000, s4;
	[dreg:$0x16] =	wrdreg s29  }
0xb: {  	s7 =	sshll.u32 s7, $0x2;
	s31 =	sadd.s32 $0x5000, s4;
	[dreg:$0x17] =	wrdreg s30  }
0xc: {  	s6 =	sor.u32 s7, s6;
	s5 =	sadd.s32 $0x6000, s4;
	[dreg:$0x18] =	wrdreg s31  }
0xd: {  	s6 =	sand.u32 $0x3B0, s6;
	s7 =	sadd.s32 $0x8000, s4;
	[dreg:$0x19] =	wrdreg s5  }
0xe: {  	s8 =	sadd.s32 $0x2, s1;
	s11 =	sadd.s32 s1, s6;
	[dreg:$0x1b] =	wrdreg s7  }
0xf: {  	s9 =	sadd.s32 $0x4, s1;
	s12 =	sadd.s32 s6, s8;
	[dreg:$0x4] =	wrdreg s11  }
0x10: {  	s10 =	sadd.s32 $0x6, s1;
	s13 =	sadd.s32 s6, s9;
	[dreg:$0x5] =	wrdreg s12  }
0x11: {  	s14 =	sadd.s32 s6, s10;
	[dreg:$0x6] =	wrdreg s13  }
0x12: {  	s26 =	simm.s32 $0x580;
	[dreg:$0x7] =	wrdreg s14  }
0x13: {  	s28 =	simm.s32 $0x600;
	[smem:$0x7F9] =	sst s26  }
0x14: {  	s29 =	simm.s32 $0x680;
	[smem:$0x7FA] =	sst s28  }
0x15: {  	s30 =	simm.s32 $0x700;
	[smem:$0x7FB] =	sst s29  }
0x16: {  	s31 =	simm.s32 $0x780;
	s11 =	sadd.s32 $0x8, s1;
	[smem:$0x7FC] =	sst s30  }
0x17: {  	s12 =	sadd.s32 $0xA, s1;
	[smem:$0x7FD] =	sst s31;
	s15 =	sadd.s32 s6, s11  }
0x18: {  	s13 =	sadd.s32 $0xC, s1;
	s16 =	sadd.s32 s6, s12;
	[dreg:$0x8] =	wrdreg s15  }
0x19: {  	s14 =	sadd.s32 $0xE, s1;
	s17 =	sadd.s32 s6, s13;
	[dreg:$0x9] =	wrdreg s16  }
0x1a: {  	s18 =	sadd.s32 s6, s14;
	s6 =	sor.u32 $0x40, s6;
	[dreg:$0xa] =	wrdreg s17  }
0x1b: {  	[dreg:$0xb] =	wrdreg s18;
	s1 =	sadd.s32 s1, s6  }
0x1c: {  	s19 =	sadd.s32 s6, s8;
	[dreg:$0xc] =	wrdreg s1  }
0x1d: {  	s20 =	sadd.s32 s6, s9;
	[dreg:$0xd] =	wrdreg s19  }
0x1e: {  	s21 =	sadd.s32 s6, s10;
	[dreg:$0xe] =	wrdreg s20  }
0x1f: {  	s22 =	sadd.s32 s6, s11;
	[dreg:$0xf] =	wrdreg s21  }
0x20: {  	s23 =	sadd.s32 s6, s12;
	[dreg:$0x10] =	wrdreg s22  }
0x21: {  	s24 =	sadd.s32 s6, s13;
	[dreg:$0x11] =	wrdreg s23  }
0x22: {  	s25 =	sadd.s32 s6, s14;
	[dreg:$0x12] =	wrdreg s24  }
0x23: {  	s6 =	sadd.s32 $0x7000, s4;
	[dreg:$0x13] =	wrdreg s25  }
0x24: {  	s8 =	sadd.s32 $0x9000, s4;
	[dreg:$0x1a] =	wrdreg s6  }
0x25: {  	s9 =	sadd.s32 $0xA000, s4;
	[dreg:$0x1c] =	wrdreg s8  }
0x26: {  	s10 =	sadd.s32 $0xB000, s4;
	[dreg:$0x1d] =	wrdreg s9  }
0x27: {  	s11 =	sadd.s32 $0xC000, s4;
	[dreg:$0x1e] =	wrdreg s10  }
0x28: {  	s12 =	sadd.s32 $0xD000, s4;
	[dreg:$0x1f] =	wrdreg s11  }
0x29: {  	s13 =	sadd.s32 $0xE000, s4;
	[smem:$0x7EB] =	sst s12  }
0x2a: {  	s14 =	sadd.s32 $0xF000, s4;
	[smem:$0x7EC] =	sst s13  }
0x2b: {  	s15 =	simm.s32 $0x80;
	[smem:$0x7EE] =	sst s14  }
0x2c: {  	s16 =	simm.s32 $0x100;
	[smem:$0x7EF] =	sst s15  }
0x2d: {  	s17 =	simm.s32 $0x180;
	[smem:$0x7F0] =	sst s16  }
0x2e: {  	s0 =	ssub.s32 $0x2, s0;
	s18 =	simm.s32 $0x200;
	[smem:$0x7F1] =	sst s17  }
0x2f: {  	s5 =	sadd.s32 $0x100, s2;
	s7 =	sadd.s32 $0x300, s2;
	[smem:$0x7F2] =	sst s18  }
0x30: {  	s19 =	simm.s32 $0x280;
	s20 =	simm.s32 $0x300;
	s21 =	sshrl.u32 s0, $0x1  }
0x31: {  	s22 =	simm.s32 $0x380;
	s23 =	simm.s32 $0x400;
	[smem:$0x7F3] =	sst s19  }
0x32: {  	s24 =	simm.s32 $0x480;
	s6 =	sadd.s32 $0x200, s2;
	[smem:$0x7F4] =	sst s20  }
0x33: {  	s25 =	simm.s32 $0x500;
	s8 =	sadd.s32 $0x400, s2;
	[smem:$0x7F5] =	sst s22  }
0x34: {  	s9 =	sadd.s32 $0x500, s2;
	s10 =	sadd.s32 $0x600, s2;
	[smem:$0x7F6] =	sst s23  }
0x35: {  	v2 =	vlaneseq.u32;
	s11 =	sadd.s32 $0x700, s2;
	s13 =	simm.s32 $0x4;
	[smem:$0x7F7] =	sst s24  }
0x36: {  	vm0 =	vmmov $0xffff;
	v1 =	vshrl.u32 v2, $0x3;
	s17 =	simm.s32 $0x6;
	s0 =	ssub.s32 s0, s21;
	[smem:$0x7F8] =	sst s25  }
0x37: {  	v0 =	vand.u32 $0x7, v2;
	v2 =	vor.u32 $0x8, v2;
	v1 =	vmul.u32 $0x8, v1;
	s23 =	simm.s32 $0x1;
	s12 =	smax.u32 s0, $0x1;
	s0 =	simm.s32 $0x5  }
.LBB2_1:
0x38: {  	[smem:$0x7EA] =	sst s12  }
0x39: {  	s19 =	rddreg [dreg:$0x4]  }
0x3a: {  	s20 =	rddreg [dreg:$0x5]  }
0x3b: {  	s21 =	sld [smem:$0x7EF]  }
0x3c: {  	s1 =	rddreg [dreg:$0x6]  }
0x3d: {  	s4 =	sld [smem:$0x7F0]  }
0x3e: {  	s12 =	rddreg [dreg:$0x7]  }
0x3f: {  	s22 =	sld [smem:$0x7F1]  }
0x40: {  	s14 =	rddreg [dreg:$0x8]  }
0x41: {  	s15 =	sld [smem:$0x7F2]  }
0x42: {  	s16 =	rddreg [dreg:$0x9]  }
0x43: {  	s18 =	sld [smem:$0x7F3]  }
0x44: {  	s24 =	rddreg [dreg:$0xb]  }
0x45: {  	s25 =	sld [smem:$0x7F5]  }
0x46: {  	s26 =	rddreg [dreg:$0xc]  }
0x47: {  	s28 =	sld [smem:$0x7F6]  }
0x48: {  	s29 =	rddreg [dreg:$0xd]  }
0x49: {  	[tilespmem:s3], [sflag:$0x4] =	stream.linear.gather [hbm4b:s19+s3], $0x10, $0x38;
	[tilespmem:$0x18800] =	vst v63  }
0x4a: {  	s30 =	sld [smem:$0x7F7]  }
0x4b: {  	[tilespmem:s21], [sflag:$0x4] =	stream.linear.gather [hbm4b:s20+s3], $0x10, $0x38;
	[tilespmem:$0x18800] =	vst v63  }
0x4c: {  	s31 =	rddreg [dreg:$0xe]  }
0x4d: {  	[tilespmem:s4], [sflag:$0x4] =	stream.linear.gather [hbm4b:s1+s3], $0x10, $0x38;
	[tilespmem:$0x18800] =	vst v63  }
0x4e: {  	s21 =	rddreg [dreg:$0xa]  }
0x4f: {  	[tilespmem:s22], [sflag:$0x4] =	stream.linear.gather [hbm4b:s12+s3], $0x10, $0x38;
	[tilespmem:$0x18800] =	vst v63  }
0x50: {  	s1 =	sld [smem:$0x7F8]  }
0x51: {  	[tilespmem:s15], [sflag:$0x4] =	stream.linear.gather [hbm4b:s14+s3], $0x10, $0x38;
	[tilespmem:$0x18800] =	vst v63  }
0x52: {  	s22 =	sld [smem:$0x7F4]  }
0x53: {  	[tilespmem:s18], [sflag:$0x4] =	stream.linear.gather [hbm4b:s16+s3], $0x10, $0x38;
	[tilespmem:$0x18800] =	vst v63  }
0x54: {  	s4 =	rddreg [dreg:$0xf]  }
0x55: {  	[tilespmem:s22], [sflag:$0x4] =	stream.linear.gather [hbm4b:s21+s3], $0x10, $0x38;
	[tilespmem:$0x18800] =	vst v63  }
0x56: {  	s12 =	sld [smem:$0x7F9]  }
0x57: {  	[tilespmem:s25], [sflag:$0x4] =	stream.linear.gather [hbm4b:s24+s3], $0x10, $0x38;
	[tilespmem:$0x18800] =	vst v63  }
0x58: {  	s14 =	rddreg [dreg:$0x10]  }
0x59: {  	[tilespmem:s28], [sflag:$0x4] =	stream.linear.gather [hbm4b:s26+s3], $0x10, $0x38;
	[tilespmem:$0x18800] =	vst v63  }
0x5a: {  	s15 =	sld [smem:$0x7FA]  }
0x5b: {  	[tilespmem:s30], [sflag:$0x4] =	stream.linear.gather [hbm4b:s29+s3], $0x10, $0x38;
	[tilespmem:$0x18800] =	vst v63  }
0x5c: {  	s16 =	rddreg [dreg:$0x11]  }
0x5d: {  	[tilespmem:s1], [sflag:$0x4] =	stream.linear.gather [hbm4b:s31+s3], $0x10, $0x38;
	[tilespmem:$0x18800] =	vst v63  }
0x5e: {  	s18 =	sld [smem:$0x7FB]  }
0x5f: {  	[tilespmem:s12], [sflag:$0x4] =	stream.linear.gather [hbm4b:s4+s3], $0x10, $0x38;
	[tilespmem:$0x18800] =	vst v63  }
0x60: {  	s24 =	rddreg [dreg:$0x12]  }
0x61: {  	[tilespmem:s15], [sflag:$0x4] =	stream.linear.gather [hbm4b:s14+s3], $0x10, $0x38;
	[tilespmem:$0x18800] =	vst v63  }
0x62: {  	s25 =	sld [smem:$0x7FC]  }
0x63: {  	[tilespmem:s18], [sflag:$0x4] =	stream.linear.gather [hbm4b:s16+s3], $0x10, $0x38;
	[tilespmem:$0x18800] =	vst v63  }
0x64: {  	s28 =	sld [smem:$0x7FD]  }
0x65: {  	[tilespmem:s25], [sflag:$0x4] =	stream.linear.gather [hbm4b:s24+s3], $0x10, $0x38;
	[tilespmem:$0x18800] =	vst v63  }
0x66: {  	s26 =	rddreg [dreg:$0x13]  }
0x67: {  	[tilespmem:s28], [sflag:$0x4] =	stream.linear.gather [hbm4b:s26+s3], $0x10, $0x38;
	[tilespmem:$0x18800] =	vst v63  }
0x68: {  	_ =	swait.ge [sflag:s13], $0x10  }
0x69: {  	[sflag:s13] =	ssyncset.done $0x0  }
0x6a: {  	[sflag:s13] =	ssyncadd.s32 $0xFFFFFFF0  }
0x6b: {  	_ =	swait.ge [sflag:s13], $0x10  }
0x6c: {  	[sflag:s13] =	ssyncset.done $0x0  }
0x6d: {  	[sflag:s13] =	ssyncadd.s32 $0xFFFFFFF0  }
0x6e: {  	_ =	swait.ge [sflag:s13], $0x10  }
0x6f: {  	[sflag:s13] =	ssyncset.done $0x0  }
0x70: {  	[sflag:s13] =	ssyncadd.s32 $0xFFFFFFF0  }
0x71: {  	_ =	swait.ge [sflag:s13], $0x10  }
0x72: {  	[sflag:s13] =	ssyncset.done $0x0  }
0x73: {  	[sflag:s13] =	ssyncadd.s32 $0xFFFFFFF0  }
0x74: {  	_ =	swait.ge [sflag:s13], $0x10  }
0x75: {  	[sflag:s13] =	ssyncset.done $0x0  }
0x76: {  	[sflag:s13] =	ssyncadd.s32 $0xFFFFFFF0  }
0x77: {  	_ =	swait.ge [sflag:s13], $0x10  }
0x78: {  	[sflag:s13] =	ssyncset.done $0x0  }
0x79: {  	[sflag:s13] =	ssyncadd.s32 $0xFFFFFFF0  }
0x7a: {  	_ =	swait.ge [sflag:s13], $0x10  }
0x7b: {  	[sflag:s13] =	ssyncset.done $0x0  }
0x7c: {  	[sflag:s13] =	ssyncadd.s32 $0xFFFFFFF0  }
0x7d: {  	_ =	swait.ge [sflag:s13], $0x10  }
0x7e: {  	[sflag:s13] =	ssyncset.done $0x0  }
0x7f: {  	[sflag:s13] =	ssyncadd.s32 $0xFFFFFFF0  }
0x80: {  	_ =	swait.ge [sflag:s13], $0x10  }
0x81: {  	[sflag:s13] =	ssyncset.done $0x0  }
0x82: {  	[sflag:s13] =	ssyncadd.s32 $0xFFFFFFF0  }
0x83: {  	_ =	swait.ge [sflag:s13], $0x10  }
0x84: {  	[sflag:s13] =	ssyncset.done $0x0  }
0x85: {  	[sflag:s13] =	ssyncadd.s32 $0xFFFFFFF0  }
0x86: {  	_ =	swait.ge [sflag:s13], $0x10  }
0x87: {  	[sflag:s13] =	ssyncset.done $0x0  }
0x88: {  	[sflag:s13] =	ssyncadd.s32 $0xFFFFFFF0  }
0x89: {  	_ =	swait.ge [sflag:s13], $0x10  }
0x8a: {  	[sflag:s13] =	ssyncset.done $0x0  }
0x8b: {  	[sflag:s13] =	ssyncadd.s32 $0xFFFFFFF0  }
0x8c: {  	_ =	swait.ge [sflag:s13], $0x10  }
0x8d: {  	[sflag:s13] =	ssyncset.done $0x0  }
0x8e: {  	[sflag:s13] =	ssyncadd.s32 $0xFFFFFFF0  }
0x8f: {  	_ =	swait.ge [sflag:s13], $0x10  }
0x90: {  	[sflag:s13] =	ssyncset.done $0x0  }
0x91: {  	[sflag:s13] =	ssyncadd.s32 $0xFFFFFFF0  }
0x92: {  	_ =	swait.ge [sflag:s13], $0x10  }
0x93: {  	[sflag:s13] =	ssyncset.done $0x0  }
0x94: {  	[sflag:s13] =	ssyncadd.s32 $0xFFFFFFF0  }
0x95: {  	_ =	swait.ge [sflag:s13], $0x10  }
0x96: {  	[sflag:s13] =	ssyncset.done $0x0  }
0x97: {  	[sflag:s13] =	ssyncadd.s32 $0xFFFFFFF0  }
0x98: {  	v3 =	vld [tilespmem:$0x0];
	_ =	sdelay $0x4  }
0x99: {  	v4 =	vshll.u32 v3, $0x4  }
0x9a: {  	v3 =	vand.u32 $0x7, v3;
	v4 =	vand.u32 $0xFFFFFF80, v4  }
0x9b: {  	v3 =	vor.u32 v3, v4  }
0x9c: {  	v4 =	vperm.xlane v3, v0;
	_ =	sdelay $0x1  }
0x9d: {  	v4 =	vadd.s32 v1, v4;
	_ =	sdelay $0x3  }
0x9e: {  	s20 =	simm.s32 $0x800  }
0x9f: {  	[tilespmem:s20], [sflag:$0x1] =	stream.indirect_vreg.gather [hbm4b:s2+s3], $0x80, v4, vm0, $0xb8;
	[tilespmem:$0x18800] =	vst v63  }
0xa0: {  	s1 =	simm.s32 $0x1000  }
0xa1: {  	[tilespmem:s1], [sflag:$0x1] =	stream.indirect_vreg.gather [hbm4b:s5+s3], $0x80, v4, vm0, $0xb8;
	[tilespmem:$0x18800] =	vst v63  }
0xa2: {  	s29 =	simm.s32 $0x1800  }
0xa3: {  	[tilespmem:s29], [sflag:$0x1] =	stream.indirect_vreg.gather [hbm4b:s6+s3], $0x80, v4, vm0, $0xb8;
	[tilespmem:$0x18800] =	vst v63  }
0xa4: {  	s30 =	simm.s32 $0x2000  }
0xa5: {  	[tilespmem:s30], [sflag:$0x1] =	stream.indirect_vreg.gather [hbm4b:s7+s3], $0x80, v4, vm0, $0xb8;
	[tilespmem:$0x18800] =	vst v63  }
0xa6: {  	s31 =	simm.s32 $0x2800  }
0xa7: {  	[tilespmem:s31], [sflag:$0x1] =	stream.indirect_vreg.gather [hbm4b:s8+s3], $0x80, v4, vm0, $0xb8;
	[tilespmem:$0x18800] =	vst v63  }
0xa8: {  	s4 =	simm.s32 $0x3000;
	v3 =	vperm.xlane v3, v2  }
0xa9: {  	[tilespmem:s4], [sflag:$0x1] =	stream.indirect_vreg.gather [hbm4b:s9+s3], $0x80, v4, vm0, $0xb8;
	[tilespmem:$0x18800] =	vst v63  }
0xaa: {  	s14 =	simm.s32 $0x3800;
	v3 =	vadd.s32 v1, v3  }
0xab: {  	[tilespmem:s14], [sflag:$0x1] =	stream.indirect_vreg.gather [hbm4b:s10+s3], $0x80, v4, vm0, $0xb8;
	[tilespmem:$0x18800] =	vst v63  }
0xac: {  	s16 =	simm.s32 $0x4000  }
0xad: {  	[tilespmem:s16], [sflag:$0x1] =	stream.indirect_vreg.gather [hbm4b:s11+s3], $0x80, v4, vm0, $0xb8;
	[tilespmem:$0x18800] =	vst v63  }
0xae: {  	s18 =	simm.s32 $0x4800  }
0xaf: {  	[tilespmem:s18], [sflag:$0x1] =	stream.indirect_vreg.gather [hbm4b:s2+s3], $0x80, v3, vm0, $0xb8;
	[tilespmem:$0x18800] =	vst v63  }
0xb0: {  	s19 =	simm.s32 $0x5000  }
0xb1: {  	[tilespmem:s19], [sflag:$0x1] =	stream.indirect_vreg.gather [hbm4b:s5+s3], $0x80, v3, vm0, $0xb8;
	[tilespmem:$0x18800] =	vst v63  }
0xb2: {  	s21 =	simm.s32 $0x5800  }
0xb3: {  	[tilespmem:s21], [sflag:$0x1] =	stream.indirect_vreg.gather [hbm4b:s6+s3], $0x80, v3, vm0, $0xb8;
	[tilespmem:$0x18800] =	vst v63  }
0xb4: {  	s22 =	simm.s32 $0x6000  }
0xb5: {  	[tilespmem:s22], [sflag:$0x1] =	stream.indirect_vreg.gather [hbm4b:s7+s3], $0x80, v3, vm0, $0xb8;
	[tilespmem:$0x18800] =	vst v63  }
0xb6: {  	s30 =	simm.s32 $0x6800  }
0xb7: {  	[tilespmem:s30], [sflag:$0x1] =	stream.indirect_vreg.gather [hbm4b:s8+s3], $0x80, v3, vm0, $0xb8;
	[tilespmem:$0x18800] =	vst v63  }
0xb8: {  	s4 =	simm.s32 $0x7000  }
0xb9: {  	[tilespmem:s4], [sflag:$0x1] =	stream.indirect_vreg.gather [hbm4b:s9+s3], $0x80, v3, vm0, $0xb8;
	[tilespmem:$0x18800] =	vst v63  }
0xba: {  	s14 =	simm.s32 $0x7800  }
0xbb: {  	[tilespmem:s14], [sflag:$0x1] =	stream.indirect_vreg.gather [hbm4b:s10+s3], $0x80, v3, vm0, $0xb8;
	[tilespmem:$0x18800] =	vst v63  }
0xbc: {  	s18 =	simm.s32 $0x8000  }
0xbd: {  	[tilespmem:s18], [sflag:$0x1] =	stream.indirect_vreg.gather [hbm4b:s11+s3], $0x80, v3, vm0, $0xb8;
	[tilespmem:$0x18800] =	vst v63  }
0xbe: {  	v3 =	vld [tilespmem:$0x80];
	_ =	sdelay $0x4  }
0xbf: {  	v49 =	vshll.u32 v3, $0x4  }
0xc0: {  	v3 =	vand.u32 $0x7, v3;
	v4 =	vand.u32 $0xFFFFFF80, v49  }
0xc1: {  	v3 =	vor.u32 v3, v4  }
0xc2: {  	v4 =	vperm.xlane v3, v0;
	_ =	sdelay $0x1  }
0xc3: {  	v4 =	vadd.s32 v1, v4;
	_ =	sdelay $0x3  }
0xc4: {  	s4 =	simm.s32 $0x8800  }
0xc5: {  	[tilespmem:s4], [sflag:$0x2] =	stream.indirect_vreg.gather [hbm4b:s2+s3], $0x80, v4, vm0, $0xb8;
	[tilespmem:$0x18800] =	vst v63  }
0xc6: {  	s14 =	simm.s32 $0x9000  }
0xc7: {  	[tilespmem:s14], [sflag:$0x2] =	stream.indirect_vreg.gather [hbm4b:s5+s3], $0x80, v4, vm0, $0xb8;
	[tilespmem:$0x18800] =	vst v63  }
0xc8: {  	s19 =	simm.s32 $0x9800  }
0xc9: {  	[tilespmem:s19], [sflag:$0x2] =	stream.indirect_vreg.gather [hbm4b:s6+s3], $0x80, v4, vm0, $0xb8;
	[tilespmem:$0x18800] =	vst v63  }
0xca: {  	s21 =	simm.s32 $0xA000  }
0xcb: {  	[tilespmem:s21], [sflag:$0x2] =	stream.indirect_vreg.gather [hbm4b:s7+s3], $0x80, v4, vm0, $0xb8;
	[tilespmem:$0x18800] =	vst v63  }
0xcc: {  	s30 =	simm.s32 $0xA800  }
0xcd: {  	[tilespmem:s30], [sflag:$0x2] =	stream.indirect_vreg.gather [hbm4b:s8+s3], $0x80, v4, vm0, $0xb8;
	[tilespmem:$0x18800] =	vst v63  }
0xce: {  	v3 =	vperm.xlane v3, v2;
	s4 =	simm.s32 $0xB000  }
0xcf: {  	[tilespmem:s4], [sflag:$0x2] =	stream.indirect_vreg.gather [hbm4b:s9+s3], $0x80, v4, vm0, $0xb8;
	[tilespmem:$0x18800] =	vst v63  }
0xd0: {  	v3 =	vadd.s32 v1, v3;
	s19 =	simm.s32 $0xB800  }
0xd1: {  	[tilespmem:s19], [sflag:$0x2] =	stream.indirect_vreg.gather [hbm4b:s10+s3], $0x80, v4, vm0, $0xb8;
	[tilespmem:$0x18800] =	vst v63  }
0xd2: {  	s21 =	simm.s32 $0xC000  }
0xd3: {  	[tilespmem:s21], [sflag:$0x2] =	stream.indirect_vreg.gather [hbm4b:s11+s3], $0x80, v4, vm0, $0xb8;
	[tilespmem:$0x18800] =	vst v63  }
0xd4: {  	s4 =	simm.s32 $0xC800  }
0xd5: {  	[tilespmem:s4], [sflag:$0x2] =	stream.indirect_vreg.gather [hbm4b:s2+s3], $0x80, v3, vm0, $0xb8;
	[tilespmem:$0x18800] =	vst v63  }
0xd6: {  	s19 =	simm.s32 $0xD000  }
0xd7: {  	[tilespmem:s19], [sflag:$0x2] =	stream.indirect_vreg.gather [hbm4b:s5+s3], $0x80, v3, vm0, $0xb8;
	[tilespmem:$0x18800] =	vst v63  }
0xd8: {  	s21 =	simm.s32 $0xD800  }
0xd9: {  	[tilespmem:s21], [sflag:$0x2] =	stream.indirect_vreg.gather [hbm4b:s6+s3], $0x80, v3, vm0, $0xb8;
	[tilespmem:$0x18800] =	vst v63  }
0xda: {  	s4 =	simm.s32 $0xE000  }
0xdb: {  	[tilespmem:s4], [sflag:$0x2] =	stream.indirect_vreg.gather [hbm4b:s7+s3], $0x80, v3, vm0, $0xb8;
	[tilespmem:$0x18800] =	vst v63  }
0xdc: {  	s19 =	simm.s32 $0xE800  }
0xdd: {  	[tilespmem:s19], [sflag:$0x2] =	stream.indirect_vreg.gather [hbm4b:s8+s3], $0x80, v3, vm0, $0xb8;
	[tilespmem:$0x18800] =	vst v63  }
0xde: {  	s21 =	simm.s32 $0xF000  }
0xdf: {  	[tilespmem:s21], [sflag:$0x2] =	stream.indirect_vreg.gather [hbm4b:s9+s3], $0x80, v3, vm0, $0xb8;
	[tilespmem:$0x18800] =	vst v63  }
0xe0: {  	s4 =	simm.s32 $0xF800  }
0xe1: {  	[tilespmem:s4], [sflag:$0x2] =	stream.indirect_vreg.gather [hbm4b:s10+s3], $0x80, v3, vm0, $0xb8;
	[tilespmem:$0x18800] =	vst v63  }
0xe2: {  	s19 =	simm.s32 $0x10000  }
0xe3: {  	[tilespmem:s19], [sflag:$0x2] =	stream.indirect_vreg.gather [hbm4b:s11+s3], $0x80, v3, vm0, $0xb8;
	[tilespmem:$0x18800] =	vst v63  }
0xe4: {  	v3 =	vld [tilespmem:$0x100];
	_ =	sdelay $0x4  }
0xe5: {  	v50 =	vshll.u32 v3, $0x4  }
0xe6: {  	v3 =	vand.u32 $0x7, v3;
	v4 =	vand.u32 $0xFFFFFF80, v50  }
0xe7: {  	v3 =	vor.u32 v3, v4  }
0xe8: {  	v4 =	vperm.xlane v3, v0;
	_ =	sdelay $0x1  }
0xe9: {  	v4 =	vadd.s32 v1, v4;
	_ =	sdelay $0x3  }
0xea: {  	s21 =	simm.s32 $0x10800  }
0xeb: {  	[tilespmem:s21], [sflag:$0x3] =	stream.indirect_vreg.gather [hbm4b:s2+s3], $0x80, v4, vm0, $0xb8;
	[tilespmem:$0x18800] =	vst v63  }
0xec: {  	s14 =	simm.s32 $0x11000  }
0xed: {  	[tilespmem:s14], [sflag:$0x3] =	stream.indirect_vreg.gather [hbm4b:s5+s3], $0x80, v4, vm0, $0xb8;
	[tilespmem:$0x18800] =	vst v63  }
0xee: {  	s21 =	simm.s32 $0x11800  }
0xef: {  	[tilespmem:s21], [sflag:$0x3] =	stream.indirect_vreg.gather [hbm4b:s6+s3], $0x80, v4, vm0, $0xb8;
	[tilespmem:$0x18800] =	vst v63  }
0xf0: {  	s14 =	simm.s32 $0x12000  }
0xf1: {  	[tilespmem:s14], [sflag:$0x3] =	stream.indirect_vreg.gather [hbm4b:s7+s3], $0x80, v4, vm0, $0xb8;
	[tilespmem:$0x18800] =	vst v63  }
0xf2: {  	s21 =	simm.s32 $0x12800  }
0xf3: {  	[tilespmem:s21], [sflag:$0x3] =	stream.indirect_vreg.gather [hbm4b:s8+s3], $0x80, v4, vm0, $0xb8;
	[tilespmem:$0x18800] =	vst v63  }
0xf4: {  	v3 =	vperm.xlane v3, v2;
	s14 =	simm.s32 $0x13000  }
0xf5: {  	[tilespmem:s14], [sflag:$0x3] =	stream.indirect_vreg.gather [hbm4b:s9+s3], $0x80, v4, vm0, $0xb8;
	[tilespmem:$0x18800] =	vst v63  }
0xf6: {  	v3 =	vadd.s32 v1, v3;
	s21 =	simm.s32 $0x13800  }
0xf7: {  	[tilespmem:s21], [sflag:$0x3] =	stream.indirect_vreg.gather [hbm4b:s10+s3], $0x80, v4, vm0, $0xb8;
	[tilespmem:$0x18800] =	vst v63  }
0xf8: {  	s14 =	simm.s32 $0x14000  }
0xf9: {  	[tilespmem:s14], [sflag:$0x3] =	stream.indirect_vreg.gather [hbm4b:s11+s3], $0x80, v4, vm0, $0xb8;
	[tilespmem:$0x18800] =	vst v63  }
0xfa: {  	s21 =	simm.s32 $0x14800  }
0xfb: {  	[tilespmem:s21], [sflag:$0x3] =	stream.indirect_vreg.gather [hbm4b:s2+s3], $0x80, v3, vm0, $0xb8;
	[tilespmem:$0x18800] =	vst v63  }
0xfc: {  	s14 =	simm.s32 $0x15000  }
0xfd: {  	[tilespmem:s14], [sflag:$0x3] =	stream.indirect_vreg.gather [hbm4b:s5+s3], $0x80, v3, vm0, $0xb8;
	[tilespmem:$0x18800] =	vst v63  }
0xfe: {  	s21 =	simm.s32 $0x15800  }
0xff: {  	[tilespmem:s21], [sflag:$0x3] =	stream.indirect_vreg.gather [hbm4b:s6+s3], $0x80, v3, vm0, $0xb8;
	[tilespmem:$0x18800] =	vst v63  }
0x100: {  	s14 =	simm.s32 $0x16000  }
0x101: {  	[tilespmem:s14], [sflag:$0x3] =	stream.indirect_vreg.gather [hbm4b:s7+s3], $0x80, v3, vm0, $0xb8;
	[tilespmem:$0x18800] =	vst v63  }
0x102: {  	s21 =	simm.s32 $0x16800  }
0x103: {  	[tilespmem:s21], [sflag:$0x3] =	stream.indirect_vreg.gather [hbm4b:s8+s3], $0x80, v3, vm0, $0xb8;
	[tilespmem:$0x18800] =	vst v63  }
0x104: {  	s14 =	simm.s32 $0x17000  }
0x105: {  	[tilespmem:s14], [sflag:$0x3] =	stream.indirect_vreg.gather [hbm4b:s9+s3], $0x80, v3, vm0, $0xb8;
	[tilespmem:$0x18800] =	vst v63  }
0x106: {  	s21 =	simm.s32 $0x17800  }
0x107: {  	[tilespmem:s21], [sflag:$0x3] =	stream.indirect_vreg.gather [hbm4b:s10+s3], $0x80, v3, vm0, $0xb8;
	[tilespmem:$0x18800] =	vst v63  }
0x108: {  	s14 =	simm.s32 $0x18000  }
0x109: {  	[tilespmem:s14], [sflag:$0x3] =	stream.indirect_vreg.gather [hbm4b:s11+s3], $0x80, v3, vm0, $0xb8;
	[tilespmem:$0x18800] =	vst v63  }
0x10a: {  	_ =	swait.ge [sflag:s23], $0x8000  }
0x10b: {  	s21 =	sld [smem:$0x7ED]  }
0x10c: {  	[sflag:s23] =	ssyncset.done $0x0  }
0x10d: {  	[sflag:s23] =	ssyncadd.s32 $0xFFFF8000  }
0x10e: {  	[hbm4b:s21+s3] =	stream.linear.scatter [tilespmem:s20], [sflag:$0x5], $0x8000, $0x38;
	[tilespmem:$0x18800] =	vst v63  }
0x10f: {  	_ =	swait.ge [sflag:s0], $0x8000  }
0x110: {  	[sflag:s0] =	ssyncset.done $0x0  }
0x111: {  	[sflag:s0] =	ssyncadd.s32 $0xFFFF8000  }
0x112: {  	v3 =	vld [tilespmem:$0x180];
	_ =	sdelay $0x4  }
0x113: {  	v51 =	vshll.u32 v3, $0x4  }
0x114: {  	v3 =	vand.u32 $0x7, v3;
	v4 =	vand.u32 $0xFFFFFF80, v51  }
0x115: {  	v3 =	vor.u32 v3, v4  }
0x116: {  	v4 =	vperm.xlane v3, v0;
	_ =	sdelay $0x1  }
0x117: {  	v4 =	vadd.s32 v1, v4;
	_ =	sdelay $0x4  }
0x118: {  	[tilespmem:s20], [sflag:$0x1] =	stream.indirect_vreg.gather [hbm4b:s2+s3], $0x80, v4, vm0, $0xb8;
	[tilespmem:$0x18800] =	vst v63  }
0x119: {  	s12 =	simm.s32 $0x1000  }
0x11a: {  	[tilespmem:s12], [sflag:$0x1] =	stream.indirect_vreg.gather [hbm4b:s5+s3], $0x80, v4, vm0, $0xb8;
	[tilespmem:$0x18800] =	vst v63  }
0x11b: {  	s15 =	simm.s32 $0x1800  }
0x11c: {  	[tilespmem:s15], [sflag:$0x1] =	stream.indirect_vreg.gather [hbm4b:s6+s3], $0x80, v4, vm0, $0xb8;
	[tilespmem:$0x18800] =	vst v63  }
0x11d: {  	s24 =	simm.s32 $0x2000  }
0x11e: {  	[tilespmem:s24], [sflag:$0x1] =	stream.indirect_vreg.gather [hbm4b:s7+s3], $0x80, v4, vm0, $0xb8;
	[tilespmem:$0x18800] =	vst v63  }
0x11f: {  	s12 =	simm.s32 $0x2800  }
0x120: {  	[tilespmem:s12], [sflag:$0x1] =	stream.indirect_vreg.gather [hbm4b:s8+s3], $0x80, v4, vm0, $0xb8;
	[tilespmem:$0x18800] =	vst v63  }
0x121: {  	v3 =	vperm.xlane v3, v2;
	s24 =	simm.s32 $0x3000  }
0x122: {  	[tilespmem:s24], [sflag:$0x1] =	stream.indirect_vreg.gather [hbm4b:s9+s3], $0x80, v4, vm0, $0xb8;
	[tilespmem:$0x18800] =	vst v63  }
0x123: {  	s25 =	simm.s32 $0x3800;
	v3 =	vadd.s32 v1, v3  }
0x124: {  	[tilespmem:s25], [sflag:$0x1] =	stream.indirect_vreg.gather [hbm4b:s10+s3], $0x80, v4, vm0, $0xb8;
	[tilespmem:$0x18800] =	vst v63  }
0x125: {  	s26 =	simm.s32 $0x4000  }
0x126: {  	[tilespmem:s26], [sflag:$0x1] =	stream.indirect_vreg.gather [hbm4b:s11+s3], $0x80, v4, vm0, $0xb8;
	[tilespmem:$0x18800] =	vst v63  }
0x127: {  	s28 =	simm.s32 $0x4800  }
0x128: {  	[tilespmem:s28], [sflag:$0x1] =	stream.indirect_vreg.gather [hbm4b:s2+s3], $0x80, v3, vm0, $0xb8;
	[tilespmem:$0x18800] =	vst v63  }
0x129: {  	s29 =	simm.s32 $0x5000  }
0x12a: {  	[tilespmem:s29], [sflag:$0x1] =	stream.indirect_vreg.gather [hbm4b:s5+s3], $0x80, v3, vm0, $0xb8;
	[tilespmem:$0x18800] =	vst v63  }
0x12b: {  	s31 =	simm.s32 $0x5800  }
0x12c: {  	[tilespmem:s31], [sflag:$0x1] =	stream.indirect_vreg.gather [hbm4b:s6+s3], $0x80, v3, vm0, $0xb8;
	[tilespmem:$0x18800] =	vst v63  }
0x12d: {  	s16 =	simm.s32 $0x6000  }
0x12e: {  	[tilespmem:s16], [sflag:$0x1] =	stream.indirect_vreg.gather [hbm4b:s7+s3], $0x80, v3, vm0, $0xb8;
	[tilespmem:$0x18800] =	vst v63  }
0x12f: {  	s22 =	simm.s32 $0x6800  }
0x130: {  	[tilespmem:s22], [sflag:$0x1] =	stream.indirect_vreg.gather [hbm4b:s8+s3], $0x80, v3, vm0, $0xb8;
	[tilespmem:$0x18800] =	vst v63  }
0x131: {  	s22 =	simm.s32 $0x7000  }
0x132: {  	[tilespmem:s22], [sflag:$0x1] =	stream.indirect_vreg.gather [hbm4b:s9+s3], $0x80, v3, vm0, $0xb8;
	[tilespmem:$0x18800] =	vst v63  }
0x133: {  	s31 =	simm.s32 $0x7800  }
0x134: {  	[tilespmem:s31], [sflag:$0x1] =	stream.indirect_vreg.gather [hbm4b:s10+s3], $0x80, v3, vm0, $0xb8;
	[tilespmem:$0x18800] =	vst v63  }
0x135: {  	s1 =	simm.s32 $0x8000;
	s16 =	simm.s32 $0x2  }
0x136: {  	[tilespmem:s1], [sflag:$0x1] =	stream.indirect_vreg.gather [hbm4b:s11+s3], $0x80, v3, vm0, $0xb8;
	[tilespmem:$0x18800] =	vst v63  }
0x137: {  	_ =	swait.ge [sflag:s16], $0x8000  }
0x138: {  	[sflag:s16] =	ssyncset.done $0x0  }
0x139: {  	s29 =	simm.s32 $0x8800;
	s28 =	rddreg [dreg:$0x14];
	[sflag:s16] =	ssyncadd.s32 $0xFFFF8000  }
0x13a: {  	[hbm4b:s28+s3] =	stream.linear.scatter [tilespmem:s29], [sflag:$0x6], $0x8000, $0x38;
	[tilespmem:$0x18800] =	vst v63  }
0x13b: {  	_ =	swait.ge [sflag:s17], $0x8000  }
0x13c: {  	[sflag:s17] =	ssyncset.done $0x0  }
0x13d: {  	[sflag:s17] =	ssyncadd.s32 $0xFFFF8000  }
0x13e: {  	v3 =	vld [tilespmem:$0x200];
	_ =	sdelay $0x4  }
0x13f: {  	v52 =	vshll.u32 v3, $0x4  }
0x140: {  	v3 =	vand.u32 $0x7, v3;
	v4 =	vand.u32 $0xFFFFFF80, v52  }
0x141: {  	v3 =	vor.u32 v3, v4  }
0x142: {  	v4 =	vperm.xlane v3, v0;
	_ =	sdelay $0x1  }
0x143: {  	v4 =	vadd.s32 v1, v4;
	_ =	sdelay $0x4  }
0x144: {  	[tilespmem:s29], [sflag:$0x2] =	stream.indirect_vreg.gather [hbm4b:s2+s3], $0x80, v4, vm0, $0xb8;
	[tilespmem:$0x18800] =	vst v63  }
0x145: {  	s21 =	simm.s32 $0x9000  }
0x146: {  	[tilespmem:s21], [sflag:$0x2] =	stream.indirect_vreg.gather [hbm4b:s5+s3], $0x80, v4, vm0, $0xb8;
	[tilespmem:$0x18800] =	vst v63  }
0x147: {  	s25 =	simm.s32 $0x9800  }
0x148: {  	[tilespmem:s25], [sflag:$0x2] =	stream.indirect_vreg.gather [hbm4b:s6+s3], $0x80, v4, vm0, $0xb8;
	[tilespmem:$0x18800] =	vst v63  }
0x149: {  	s26 =	simm.s32 $0xA000  }
0x14a: {  	[tilespmem:s26], [sflag:$0x2] =	stream.indirect_vreg.gather [hbm4b:s7+s3], $0x80, v4, vm0, $0xb8;
	[tilespmem:$0x18800] =	vst v63  }
0x14b: {  	s18 =	simm.s32 $0xA800  }
0x14c: {  	[tilespmem:s18], [sflag:$0x2] =	stream.indirect_vreg.gather [hbm4b:s8+s3], $0x80, v4, vm0, $0xb8;
	[tilespmem:$0x18800] =	vst v63  }
0x14d: {  	s30 =	simm.s32 $0xB000;
	v3 =	vperm.xlane v3, v2  }
0x14e: {  	[tilespmem:s30], [sflag:$0x2] =	stream.indirect_vreg.gather [hbm4b:s9+s3], $0x80, v4, vm0, $0xb8;
	[tilespmem:$0x18800] =	vst v63  }
0x14f: {  	s28 =	simm.s32 $0xB800;
	v3 =	vadd.s32 v1, v3  }
0x150: {  	[tilespmem:s28], [sflag:$0x2] =	stream.indirect_vreg.gather [hbm4b:s10+s3], $0x80, v4, vm0, $0xb8;
	[tilespmem:$0x18800] =	vst v63  }
0x151: {  	s29 =	simm.s32 $0xC000  }
0x152: {  	[tilespmem:s29], [sflag:$0x2] =	stream.indirect_vreg.gather [hbm4b:s11+s3], $0x80, v4, vm0, $0xb8;
	[tilespmem:$0x18800] =	vst v63  }
0x153: {  	s30 =	simm.s32 $0xC800  }
0x154: {  	[tilespmem:s30], [sflag:$0x2] =	stream.indirect_vreg.gather [hbm4b:s2+s3], $0x80, v3, vm0, $0xb8;
	[tilespmem:$0x18800] =	vst v63  }
0x155: {  	s14 =	simm.s32 $0xD000  }
0x156: {  	[tilespmem:s14], [sflag:$0x2] =	stream.indirect_vreg.gather [hbm4b:s5+s3], $0x80, v3, vm0, $0xb8;
	[tilespmem:$0x18800] =	vst v63  }
0x157: {  	s14 =	simm.s32 $0xD800  }
0x158: {  	[tilespmem:s14], [sflag:$0x2] =	stream.indirect_vreg.gather [hbm4b:s6+s3], $0x80, v3, vm0, $0xb8;
	[tilespmem:$0x18800] =	vst v63  }
0x159: {  	s15 =	simm.s32 $0xE000  }
0x15a: {  	[tilespmem:s15], [sflag:$0x2] =	stream.indirect_vreg.gather [hbm4b:s7+s3], $0x80, v3, vm0, $0xb8;
	[tilespmem:$0x18800] =	vst v63  }
0x15b: {  	s18 =	simm.s32 $0xE800  }
0x15c: {  	[tilespmem:s18], [sflag:$0x2] =	stream.indirect_vreg.gather [hbm4b:s8+s3], $0x80, v3, vm0, $0xb8;
	[tilespmem:$0x18800] =	vst v63  }
0x15d: {  	s24 =	simm.s32 $0xF000  }
0x15e: {  	[tilespmem:s24], [sflag:$0x2] =	stream.indirect_vreg.gather [hbm4b:s9+s3], $0x80, v3, vm0, $0xb8;
	[tilespmem:$0x18800] =	vst v63  }
0x15f: {  	s19 =	simm.s32 $0xF800  }
0x160: {  	[tilespmem:s19], [sflag:$0x2] =	stream.indirect_vreg.gather [hbm4b:s10+s3], $0x80, v3, vm0, $0xb8;
	[tilespmem:$0x18800] =	vst v63  }
0x161: {  	s4 =	simm.s32 $0x10000;
	s18 =	simm.s32 $0x3  }
0x162: {  	[tilespmem:s4], [sflag:$0x2] =	stream.indirect_vreg.gather [hbm4b:s11+s3], $0x80, v3, vm0, $0xb8;
	[tilespmem:$0x18800] =	vst v63  }
0x163: {  	_ =	swait.ge [sflag:s18], $0x8000  }
0x164: {  	s1 =	simm.s32 $0x10800;
	[sflag:s18] =	ssyncset.done $0x0  }
0x165: {  	s4 =	simm.s32 $0x7;
	s15 =	rddreg [dreg:$0x15];
	[sflag:s18] =	ssyncadd.s32 $0xFFFF8000  }
0x166: {  	[hbm4b:s15+s3] =	stream.linear.scatter [tilespmem:s1], [sflag:$0x7], $0x8000, $0x38;
	[tilespmem:$0x18800] =	vst v63  }
0x167: {  	_ =	swait.ge [sflag:s4], $0x8000  }
0x168: {  	[sflag:s4] =	ssyncset.done $0x0  }
0x169: {  	[sflag:s4] =	ssyncadd.s32 $0xFFFF8000  }
0x16a: {  	v3 =	vld [tilespmem:$0x280];
	_ =	sdelay $0x4  }
0x16b: {  	v53 =	vshll.u32 v3, $0x4  }
0x16c: {  	v3 =	vand.u32 $0x7, v3;
	v4 =	vand.u32 $0xFFFFFF80, v53  }
0x16d: {  	v3 =	vor.u32 v3, v4  }
0x16e: {  	v4 =	vperm.xlane v3, v0;
	_ =	sdelay $0x1  }
0x16f: {  	v4 =	vadd.s32 v1, v4;
	_ =	sdelay $0x4  }
0x170: {  	[tilespmem:s1], [sflag:$0x3] =	stream.indirect_vreg.gather [hbm4b:s2+s3], $0x80, v4, vm0, $0xb8;
	[tilespmem:$0x18800] =	vst v63  }
0x171: {  	s19 =	simm.s32 $0x11000  }
0x172: {  	[tilespmem:s19], [sflag:$0x3] =	stream.indirect_vreg.gather [hbm4b:s5+s3], $0x80, v4, vm0, $0xb8;
	[tilespmem:$0x18800] =	vst v63  }
0x173: {  	s15 =	simm.s32 $0x11800  }
0x174: {  	[tilespmem:s15], [sflag:$0x3] =	stream.indirect_vreg.gather [hbm4b:s6+s3], $0x80, v4, vm0, $0xb8;
	[tilespmem:$0x18800] =	vst v63  }
0x175: {  	s19 =	simm.s32 $0x12000  }
0x176: {  	[tilespmem:s19], [sflag:$0x3] =	stream.indirect_vreg.gather [hbm4b:s7+s3], $0x80, v4, vm0, $0xb8;
	[tilespmem:$0x18800] =	vst v63  }
0x177: {  	s15 =	simm.s32 $0x12800  }
0x178: {  	[tilespmem:s15], [sflag:$0x3] =	stream.indirect_vreg.gather [hbm4b:s8+s3], $0x80, v4, vm0, $0xb8;
	[tilespmem:$0x18800] =	vst v63  }
0x179: {  	v3 =	vperm.xlane v3, v2;
	s19 =	simm.s32 $0x13000  }
0x17a: {  	[tilespmem:s19], [sflag:$0x3] =	stream.indirect_vreg.gather [hbm4b:s9+s3], $0x80, v4, vm0, $0xb8;
	[tilespmem:$0x18800] =	vst v63  }
0x17b: {  	v3 =	vadd.s32 v1, v3;
	s15 =	simm.s32 $0x13800  }
0x17c: {  	[tilespmem:s15], [sflag:$0x3] =	stream.indirect_vreg.gather [hbm4b:s10+s3], $0x80, v4, vm0, $0xb8;
	[tilespmem:$0x18800] =	vst v63  }
0x17d: {  	s19 =	simm.s32 $0x14000  }
0x17e: {  	[tilespmem:s19], [sflag:$0x3] =	stream.indirect_vreg.gather [hbm4b:s11+s3], $0x80, v4, vm0, $0xb8;
	[tilespmem:$0x18800] =	vst v63  }
0x17f: {  	s15 =	simm.s32 $0x14800  }
0x180: {  	[tilespmem:s15], [sflag:$0x3] =	stream.indirect_vreg.gather [hbm4b:s2+s3], $0x80, v3, vm0, $0xb8;
	[tilespmem:$0x18800] =	vst v63  }
0x181: {  	s19 =	simm.s32 $0x15000  }
0x182: {  	[tilespmem:s19], [sflag:$0x3] =	stream.indirect_vreg.gather [hbm4b:s5+s3], $0x80, v3, vm0, $0xb8;
	[tilespmem:$0x18800] =	vst v63  }
0x183: {  	s15 =	simm.s32 $0x15800  }
0x184: {  	[tilespmem:s15], [sflag:$0x3] =	stream.indirect_vreg.gather [hbm4b:s6+s3], $0x80, v3, vm0, $0xb8;
	[tilespmem:$0x18800] =	vst v63  }
0x185: {  	s19 =	simm.s32 $0x16000  }
0x186: {  	[tilespmem:s19], [sflag:$0x3] =	stream.indirect_vreg.gather [hbm4b:s7+s3], $0x80, v3, vm0, $0xb8;
	[tilespmem:$0x18800] =	vst v63  }
0x187: {  	s15 =	simm.s32 $0x16800  }
0x188: {  	[tilespmem:s15], [sflag:$0x3] =	stream.indirect_vreg.gather [hbm4b:s8+s3], $0x80, v3, vm0, $0xb8;
	[tilespmem:$0x18800] =	vst v63  }
0x189: {  	s19 =	simm.s32 $0x17000  }
0x18a: {  	[tilespmem:s19], [sflag:$0x3] =	stream.indirect_vreg.gather [hbm4b:s9+s3], $0x80, v3, vm0, $0xb8;
	[tilespmem:$0x18800] =	vst v63  }
0x18b: {  	s15 =	simm.s32 $0x17800  }
0x18c: {  	[tilespmem:s15], [sflag:$0x3] =	stream.indirect_vreg.gather [hbm4b:s10+s3], $0x80, v3, vm0, $0xb8;
	[tilespmem:$0x18800] =	vst v63  }
0x18d: {  	s19 =	simm.s32 $0x18000  }
0x18e: {  	[tilespmem:s19], [sflag:$0x3] =	stream.indirect_vreg.gather [hbm4b:s11+s3], $0x80, v3, vm0, $0xb8;
	[tilespmem:$0x18800] =	vst v63  }
0x18f: {  	_ =	swait.ge [sflag:s23], $0x8000  }
0x190: {  	[sflag:s23] =	ssyncset.done $0x0  }
0x191: {  	s15 =	rddreg [dreg:$0x16];
	[sflag:s23] =	ssyncadd.s32 $0xFFFF8000  }
0x192: {  	[hbm4b:s15+s3] =	stream.linear.scatter [tilespmem:s20], [sflag:$0x5], $0x8000, $0x38;
	[tilespmem:$0x18800] =	vst v63  }
0x193: {  	_ =	swait.ge [sflag:s0], $0x8000  }
0x194: {  	[sflag:s0] =	ssyncset.done $0x0  }
0x195: {  	[sflag:s0] =	ssyncadd.s32 $0xFFFF8000  }
0x196: {  	v3 =	vld [tilespmem:$0x300];
	_ =	sdelay $0x4  }
0x197: {  	v54 =	vshll.u32 v3, $0x4  }
0x198: {  	v3 =	vand.u32 $0x7, v3;
	v4 =	vand.u32 $0xFFFFFF80, v54  }
0x199: {  	v3 =	vor.u32 v3, v4  }
0x19a: {  	v4 =	vperm.xlane v3, v0;
	_ =	sdelay $0x1  }
0x19b: {  	v4 =	vadd.s32 v1, v4;
	_ =	sdelay $0x4  }
0x19c: {  	[tilespmem:s20], [sflag:$0x1] =	stream.indirect_vreg.gather [hbm4b:s2+s3], $0x80, v4, vm0, $0xb8;
	[tilespmem:$0x18800] =	vst v63  }
0x19d: {  	s19 =	simm.s32 $0x1000  }
0x19e: {  	[tilespmem:s19], [sflag:$0x1] =	stream.indirect_vreg.gather [hbm4b:s5+s3], $0x80, v4, vm0, $0xb8;
	[tilespmem:$0x18800] =	vst v63  }
0x19f: {  	s15 =	simm.s32 $0x1800  }
0x1a0: {  	[tilespmem:s15], [sflag:$0x1] =	stream.indirect_vreg.gather [hbm4b:s6+s3], $0x80, v4, vm0, $0xb8;
	[tilespmem:$0x18800] =	vst v63  }
0x1a1: {  	s19 =	simm.s32 $0x2000  }
0x1a2: {  	[tilespmem:s19], [sflag:$0x1] =	stream.indirect_vreg.gather [hbm4b:s7+s3], $0x80, v4, vm0, $0xb8;
	[tilespmem:$0x18800] =	vst v63  }
0x1a3: {  	_ = 	snop  }
0x1a4: {  	[tilespmem:s12], [sflag:$0x1] =	stream.indirect_vreg.gather [hbm4b:s8+s3], $0x80, v4, vm0, $0xb8;
	[tilespmem:$0x18800] =	vst v63  }
0x1a5: {  	v3 =	vperm.xlane v3, v2;
	s15 =	simm.s32 $0x3000  }
0x1a6: {  	[tilespmem:s15], [sflag:$0x1] =	stream.indirect_vreg.gather [hbm4b:s9+s3], $0x80, v4, vm0, $0xb8;
	[tilespmem:$0x18800] =	vst v63  }
0x1a7: {  	v3 =	vadd.s32 v1, v3;
	s19 =	simm.s32 $0x3800  }
0x1a8: {  	[tilespmem:s19], [sflag:$0x1] =	stream.indirect_vreg.gather [hbm4b:s10+s3], $0x80, v4, vm0, $0xb8;
	[tilespmem:$0x18800] =	vst v63  }
0x1a9: {  	s12 =	simm.s32 $0x4000  }
0x1aa: {  	[tilespmem:s12], [sflag:$0x1] =	stream.indirect_vreg.gather [hbm4b:s11+s3], $0x80, v4, vm0, $0xb8;
	[tilespmem:$0x18800] =	vst v63  }
0x1ab: {  	s15 =	simm.s32 $0x4800  }
0x1ac: {  	[tilespmem:s15], [sflag:$0x1] =	stream.indirect_vreg.gather [hbm4b:s2+s3], $0x80, v3, vm0, $0xb8;
	[tilespmem:$0x18800] =	vst v63  }
0x1ad: {  	s19 =	simm.s32 $0x5000  }
0x1ae: {  	[tilespmem:s19], [sflag:$0x1] =	stream.indirect_vreg.gather [hbm4b:s5+s3], $0x80, v3, vm0, $0xb8;
	[tilespmem:$0x18800] =	vst v63  }
0x1af: {  	s12 =	simm.s32 $0x5800  }
0x1b0: {  	[tilespmem:s12], [sflag:$0x1] =	stream.indirect_vreg.gather [hbm4b:s6+s3], $0x80, v3, vm0, $0xb8;
	[tilespmem:$0x18800] =	vst v63  }
0x1b1: {  	s15 =	simm.s32 $0x6000  }
0x1b2: {  	[tilespmem:s15], [sflag:$0x1] =	stream.indirect_vreg.gather [hbm4b:s7+s3], $0x80, v3, vm0, $0xb8;
	[tilespmem:$0x18800] =	vst v63  }
0x1b3: {  	s19 =	simm.s32 $0x6800  }
0x1b4: {  	[tilespmem:s19], [sflag:$0x1] =	stream.indirect_vreg.gather [hbm4b:s8+s3], $0x80, v3, vm0, $0xb8;
	[tilespmem:$0x18800] =	vst v63  }
0x1b5: {  	_ = 	snop  }
0x1b6: {  	[tilespmem:s22], [sflag:$0x1] =	stream.indirect_vreg.gather [hbm4b:s9+s3], $0x80, v3, vm0, $0xb8;
	[tilespmem:$0x18800] =	vst v63  }
0x1b7: {  	_ = 	snop  }
0x1b8: {  	[tilespmem:s31], [sflag:$0x1] =	stream.indirect_vreg.gather [hbm4b:s10+s3], $0x80, v3, vm0, $0xb8;
	[tilespmem:$0x18800] =	vst v63  }
0x1b9: {  	s12 =	simm.s32 $0x8000  }
0x1ba: {  	[tilespmem:s12], [sflag:$0x1] =	stream.indirect_vreg.gather [hbm4b:s11+s3], $0x80, v3, vm0, $0xb8;
	[tilespmem:$0x18800] =	vst v63  }
0x1bb: {  	_ =	swait.ge [sflag:s16], $0x8000  }
0x1bc: {  	[sflag:s16] =	ssyncset.done $0x0  }
0x1bd: {  	s22 =	simm.s32 $0x8800;
	s15 =	rddreg [dreg:$0x17];
	[sflag:s16] =	ssyncadd.s32 $0xFFFF8000  }
0x1be: {  	[hbm4b:s15+s3] =	stream.linear.scatter [tilespmem:s22], [sflag:$0x6], $0x8000, $0x38;
	[tilespmem:$0x18800] =	vst v63  }
0x1bf: {  	_ =	swait.ge [sflag:s17], $0x8000  }
0x1c0: {  	[sflag:s17] =	ssyncset.done $0x0  }
0x1c1: {  	[sflag:s17] =	ssyncadd.s32 $0xFFFF8000  }
0x1c2: {  	v3 =	vld [tilespmem:$0x380];
	_ =	sdelay $0x4  }
0x1c3: {  	v55 =	vshll.u32 v3, $0x4  }
0x1c4: {  	v3 =	vand.u32 $0x7, v3;
	v4 =	vand.u32 $0xFFFFFF80, v55  }
0x1c5: {  	v3 =	vor.u32 v3, v4  }
0x1c6: {  	v4 =	vperm.xlane v3, v0;
	_ =	sdelay $0x1  }
0x1c7: {  	v4 =	vadd.s32 v1, v4;
	_ =	sdelay $0x4  }
0x1c8: {  	[tilespmem:s22], [sflag:$0x2] =	stream.indirect_vreg.gather [hbm4b:s2+s3], $0x80, v4, vm0, $0xb8;
	[tilespmem:$0x18800] =	vst v63  }
0x1c9: {  	_ = 	snop  }
0x1ca: {  	[tilespmem:s21], [sflag:$0x2] =	stream.indirect_vreg.gather [hbm4b:s5+s3], $0x80, v4, vm0, $0xb8;
	[tilespmem:$0x18800] =	vst v63  }
0x1cb: {  	_ = 	snop  }
0x1cc: {  	[tilespmem:s25], [sflag:$0x2] =	stream.indirect_vreg.gather [hbm4b:s6+s3], $0x80, v4, vm0, $0xb8;
	[tilespmem:$0x18800] =	vst v63  }
0x1cd: {  	_ = 	snop  }
0x1ce: {  	[tilespmem:s26], [sflag:$0x2] =	stream.indirect_vreg.gather [hbm4b:s7+s3], $0x80, v4, vm0, $0xb8;
	[tilespmem:$0x18800] =	vst v63  }
0x1cf: {  	s21 =	simm.s32 $0xA800  }
0x1d0: {  	[tilespmem:s21], [sflag:$0x2] =	stream.indirect_vreg.gather [hbm4b:s8+s3], $0x80, v4, vm0, $0xb8;
	[tilespmem:$0x18800] =	vst v63  }
0x1d1: {  	v3 =	vperm.xlane v3, v2;
	s26 =	simm.s32 $0xB000  }
0x1d2: {  	[tilespmem:s26], [sflag:$0x2] =	stream.indirect_vreg.gather [hbm4b:s9+s3], $0x80, v4, vm0, $0xb8;
	[tilespmem:$0x18800] =	vst v63  }
0x1d3: {  	v3 =	vadd.s32 v1, v3  }
0x1d4: {  	[tilespmem:s28], [sflag:$0x2] =	stream.indirect_vreg.gather [hbm4b:s10+s3], $0x80, v4, vm0, $0xb8;
	[tilespmem:$0x18800] =	vst v63  }
0x1d5: {  	_ = 	snop  }
0x1d6: {  	[tilespmem:s29], [sflag:$0x2] =	stream.indirect_vreg.gather [hbm4b:s11+s3], $0x80, v4, vm0, $0xb8;
	[tilespmem:$0x18800] =	vst v63  }
0x1d7: {  	_ = 	snop  }
0x1d8: {  	[tilespmem:s30], [sflag:$0x2] =	stream.indirect_vreg.gather [hbm4b:s2+s3], $0x80, v3, vm0, $0xb8;
	[tilespmem:$0x18800] =	vst v63  }
0x1d9: {  	s31 =	simm.s32 $0xD000  }
0x1da: {  	[tilespmem:s31], [sflag:$0x2] =	stream.indirect_vreg.gather [hbm4b:s5+s3], $0x80, v3, vm0, $0xb8;
	[tilespmem:$0x18800] =	vst v63  }
0x1db: {  	_ = 	snop  }
0x1dc: {  	[tilespmem:s14], [sflag:$0x2] =	stream.indirect_vreg.gather [hbm4b:s6+s3], $0x80, v3, vm0, $0xb8;
	[tilespmem:$0x18800] =	vst v63  }
0x1dd: {  	s25 =	simm.s32 $0xE000  }
0x1de: {  	[tilespmem:s25], [sflag:$0x2] =	stream.indirect_vreg.gather [hbm4b:s7+s3], $0x80, v3, vm0, $0xb8;
	[tilespmem:$0x18800] =	vst v63  }
0x1df: {  	s15 =	simm.s32 $0xE800  }
0x1e0: {  	[tilespmem:s15], [sflag:$0x2] =	stream.indirect_vreg.gather [hbm4b:s8+s3], $0x80, v3, vm0, $0xb8;
	[tilespmem:$0x18800] =	vst v63  }
0x1e1: {  	_ = 	snop  }
0x1e2: {  	[tilespmem:s24], [sflag:$0x2] =	stream.indirect_vreg.gather [hbm4b:s9+s3], $0x80, v3, vm0, $0xb8;
	[tilespmem:$0x18800] =	vst v63  }
0x1e3: {  	s22 =	simm.s32 $0xF800  }
0x1e4: {  	[tilespmem:s22], [sflag:$0x2] =	stream.indirect_vreg.gather [hbm4b:s10+s3], $0x80, v3, vm0, $0xb8;
	[tilespmem:$0x18800] =	vst v63  }
0x1e5: {  	s19 =	simm.s32 $0x10000  }
0x1e6: {  	[tilespmem:s19], [sflag:$0x2] =	stream.indirect_vreg.gather [hbm4b:s11+s3], $0x80, v3, vm0, $0xb8;
	[tilespmem:$0x18800] =	vst v63  }
0x1e7: {  	_ =	swait.ge [sflag:s18], $0x8000  }
0x1e8: {  	[sflag:s18] =	ssyncset.done $0x0  }
0x1e9: {  	s26 =	simm.s32 $0x10800;
	s24 =	rddreg [dreg:$0x18];
	[sflag:s18] =	ssyncadd.s32 $0xFFFF8000  }
0x1ea: {  	[hbm4b:s24+s3] =	stream.linear.scatter [tilespmem:s26], [sflag:$0x7], $0x8000, $0x38;
	[tilespmem:$0x18800] =	vst v63  }
0x1eb: {  	_ =	swait.ge [sflag:s4], $0x8000  }
0x1ec: {  	[sflag:s4] =	ssyncset.done $0x0  }
0x1ed: {  	[sflag:s4] =	ssyncadd.s32 $0xFFFF8000  }
0x1ee: {  	v3 =	vld [tilespmem:$0x400];
	_ =	sdelay $0x4  }
0x1ef: {  	v56 =	vshll.u32 v3, $0x4  }
0x1f0: {  	v3 =	vand.u32 $0x7, v3;
	v4 =	vand.u32 $0xFFFFFF80, v56  }
0x1f1: {  	v3 =	vor.u32 v3, v4  }
0x1f2: {  	v4 =	vperm.xlane v3, v0;
	_ =	sdelay $0x1  }
0x1f3: {  	v4 =	vadd.s32 v1, v4;
	_ =	sdelay $0x4  }
0x1f4: {  	[tilespmem:s26], [sflag:$0x3] =	stream.indirect_vreg.gather [hbm4b:s2+s3], $0x80, v4, vm0, $0xb8;
	[tilespmem:$0x18800] =	vst v63  }
0x1f5: {  	s15 =	simm.s32 $0x11000  }
0x1f6: {  	[tilespmem:s15], [sflag:$0x3] =	stream.indirect_vreg.gather [hbm4b:s5+s3], $0x80, v4, vm0, $0xb8;
	[tilespmem:$0x18800] =	vst v63  }
0x1f7: {  	s28 =	simm.s32 $0x11800  }
0x1f8: {  	[tilespmem:s28], [sflag:$0x3] =	stream.indirect_vreg.gather [hbm4b:s6+s3], $0x80, v4, vm0, $0xb8;
	[tilespmem:$0x18800] =	vst v63  }
0x1f9: {  	s29 =	simm.s32 $0x12000  }
0x1fa: {  	[tilespmem:s29], [sflag:$0x3] =	stream.indirect_vreg.gather [hbm4b:s7+s3], $0x80, v4, vm0, $0xb8;
	[tilespmem:$0x18800] =	vst v63  }
0x1fb: {  	s30 =	simm.s32 $0x12800  }
0x1fc: {  	[tilespmem:s30], [sflag:$0x3] =	stream.indirect_vreg.gather [hbm4b:s8+s3], $0x80, v4, vm0, $0xb8;
	[tilespmem:$0x18800] =	vst v63  }
0x1fd: {  	s31 =	simm.s32 $0x13000;
	v3 =	vperm.xlane v3, v2  }
0x1fe: {  	[tilespmem:s31], [sflag:$0x3] =	stream.indirect_vreg.gather [hbm4b:s9+s3], $0x80, v4, vm0, $0xb8;
	[tilespmem:$0x18800] =	vst v63  }
0x1ff: {  	s19 =	simm.s32 $0x13800;
	v3 =	vadd.s32 v1, v3  }
0x200: {  	[tilespmem:s19], [sflag:$0x3] =	stream.indirect_vreg.gather [hbm4b:s10+s3], $0x80, v4, vm0, $0xb8;
	[tilespmem:$0x18800] =	vst v63  }
0x201: {  	s24 =	simm.s32 $0x14000  }
0x202: {  	[tilespmem:s24], [sflag:$0x3] =	stream.indirect_vreg.gather [hbm4b:s11+s3], $0x80, v4, vm0, $0xb8;
	[tilespmem:$0x18800] =	vst v63  }
0x203: {  	s26 =	simm.s32 $0x14800  }
0x204: {  	[tilespmem:s26], [sflag:$0x3] =	stream.indirect_vreg.gather [hbm4b:s2+s3], $0x80, v3, vm0, $0xb8;
	[tilespmem:$0x18800] =	vst v63  }
0x205: {  	s28 =	simm.s32 $0x15000  }
0x206: {  	[tilespmem:s28], [sflag:$0x3] =	stream.indirect_vreg.gather [hbm4b:s5+s3], $0x80, v3, vm0, $0xb8;
	[tilespmem:$0x18800] =	vst v63  }
0x207: {  	s29 =	simm.s32 $0x15800  }
0x208: {  	[tilespmem:s29], [sflag:$0x3] =	stream.indirect_vreg.gather [hbm4b:s6+s3], $0x80, v3, vm0, $0xb8;
	[tilespmem:$0x18800] =	vst v63  }
0x209: {  	s30 =	simm.s32 $0x16000  }
0x20a: {  	[tilespmem:s30], [sflag:$0x3] =	stream.indirect_vreg.gather [hbm4b:s7+s3], $0x80, v3, vm0, $0xb8;
	[tilespmem:$0x18800] =	vst v63  }
0x20b: {  	s31 =	simm.s32 $0x16800  }
0x20c: {  	[tilespmem:s31], [sflag:$0x3] =	stream.indirect_vreg.gather [hbm4b:s8+s3], $0x80, v3, vm0, $0xb8;
	[tilespmem:$0x18800] =	vst v63  }
0x20d: {  	s19 =	simm.s32 $0x17000  }
0x20e: {  	[tilespmem:s19], [sflag:$0x3] =	stream.indirect_vreg.gather [hbm4b:s9+s3], $0x80, v3, vm0, $0xb8;
	[tilespmem:$0x18800] =	vst v63  }
0x20f: {  	s24 =	simm.s32 $0x17800  }
0x210: {  	[tilespmem:s24], [sflag:$0x3] =	stream.indirect_vreg.gather [hbm4b:s10+s3], $0x80, v3, vm0, $0xb8;
	[tilespmem:$0x18800] =	vst v63  }
0x211: {  	s26 =	simm.s32 $0x18000  }
0x212: {  	[tilespmem:s26], [sflag:$0x3] =	stream.indirect_vreg.gather [hbm4b:s11+s3], $0x80, v3, vm0, $0xb8;
	[tilespmem:$0x18800] =	vst v63  }
0x213: {  	_ =	swait.ge [sflag:s23], $0x8000  }
0x214: {  	[sflag:s23] =	ssyncset.done $0x0  }
0x215: {  	s28 =	rddreg [dreg:$0x19];
	[sflag:s23] =	ssyncadd.s32 $0xFFFF8000  }
0x216: {  	[hbm4b:s28+s3] =	stream.linear.scatter [tilespmem:s20], [sflag:$0x5], $0x8000, $0x38;
	[tilespmem:$0x18800] =	vst v63  }
0x217: {  	_ =	swait.ge [sflag:s0], $0x8000  }
0x218: {  	[sflag:s0] =	ssyncset.done $0x0  }
0x219: {  	[sflag:s0] =	ssyncadd.s32 $0xFFFF8000  }
0x21a: {  	v3 =	vld [tilespmem:$0x480];
	_ =	sdelay $0x4  }
0x21b: {  	v57 =	vshll.u32 v3, $0x4  }
0x21c: {  	v3 =	vand.u32 $0x7, v3;
	v4 =	vand.u32 $0xFFFFFF80, v57  }
0x21d: {  	v3 =	vor.u32 v3, v4  }
0x21e: {  	v4 =	vperm.xlane v3, v0;
	_ =	sdelay $0x1  }
0x21f: {  	v4 =	vadd.s32 v1, v4;
	_ =	sdelay $0x4  }
0x220: {  	[tilespmem:s20], [sflag:$0x1] =	stream.indirect_vreg.gather [hbm4b:s2+s3], $0x80, v4, vm0, $0xb8;
	[tilespmem:$0x18800] =	vst v63  }
0x221: {  	s24 =	simm.s32 $0x1000  }
0x222: {  	[tilespmem:s24], [sflag:$0x1] =	stream.indirect_vreg.gather [hbm4b:s5+s3], $0x80, v4, vm0, $0xb8;
	[tilespmem:$0x18800] =	vst v63  }
0x223: {  	s29 =	simm.s32 $0x1800  }
0x224: {  	[tilespmem:s29], [sflag:$0x1] =	stream.indirect_vreg.gather [hbm4b:s6+s3], $0x80, v4, vm0, $0xb8;
	[tilespmem:$0x18800] =	vst v63  }
0x225: {  	s26 =	simm.s32 $0x2000  }
0x226: {  	[tilespmem:s26], [sflag:$0x1] =	stream.indirect_vreg.gather [hbm4b:s7+s3], $0x80, v4, vm0, $0xb8;
	[tilespmem:$0x18800] =	vst v63  }
0x227: {  	s30 =	simm.s32 $0x2800  }
0x228: {  	[tilespmem:s30], [sflag:$0x1] =	stream.indirect_vreg.gather [hbm4b:s8+s3], $0x80, v4, vm0, $0xb8;
	[tilespmem:$0x18800] =	vst v63  }
0x229: {  	s31 =	simm.s32 $0x3000;
	v3 =	vperm.xlane v3, v2  }
0x22a: {  	[tilespmem:s31], [sflag:$0x1] =	stream.indirect_vreg.gather [hbm4b:s9+s3], $0x80, v4, vm0, $0xb8;
	[tilespmem:$0x18800] =	vst v63  }
0x22b: {  	s28 =	simm.s32 $0x3800;
	v3 =	vadd.s32 v1, v3  }
0x22c: {  	[tilespmem:s28], [sflag:$0x1] =	stream.indirect_vreg.gather [hbm4b:s10+s3], $0x80, v4, vm0, $0xb8;
	[tilespmem:$0x18800] =	vst v63  }
0x22d: {  	s29 =	simm.s32 $0x4000  }
0x22e: {  	[tilespmem:s29], [sflag:$0x1] =	stream.indirect_vreg.gather [hbm4b:s11+s3], $0x80, v4, vm0, $0xb8;
	[tilespmem:$0x18800] =	vst v63  }
0x22f: {  	s30 =	simm.s32 $0x4800  }
0x230: {  	[tilespmem:s30], [sflag:$0x1] =	stream.indirect_vreg.gather [hbm4b:s2+s3], $0x80, v3, vm0, $0xb8;
	[tilespmem:$0x18800] =	vst v63  }
0x231: {  	s31 =	simm.s32 $0x5000  }
0x232: {  	[tilespmem:s31], [sflag:$0x1] =	stream.indirect_vreg.gather [hbm4b:s5+s3], $0x80, v3, vm0, $0xb8;
	[tilespmem:$0x18800] =	vst v63  }
0x233: {  	s19 =	simm.s32 $0x5800  }
0x234: {  	[tilespmem:s19], [sflag:$0x1] =	stream.indirect_vreg.gather [hbm4b:s6+s3], $0x80, v3, vm0, $0xb8;
	[tilespmem:$0x18800] =	vst v63  }
0x235: {  	s19 =	simm.s32 $0x6000  }
0x236: {  	[tilespmem:s19], [sflag:$0x1] =	stream.indirect_vreg.gather [hbm4b:s7+s3], $0x80, v3, vm0, $0xb8;
	[tilespmem:$0x18800] =	vst v63  }
0x237: {  	s19 =	simm.s32 $0x6800  }
0x238: {  	[tilespmem:s19], [sflag:$0x1] =	stream.indirect_vreg.gather [hbm4b:s8+s3], $0x80, v3, vm0, $0xb8;
	[tilespmem:$0x18800] =	vst v63  }
0x239: {  	s14 =	simm.s32 $0x7000  }
0x23a: {  	[tilespmem:s14], [sflag:$0x1] =	stream.indirect_vreg.gather [hbm4b:s9+s3], $0x80, v3, vm0, $0xb8;
	[tilespmem:$0x18800] =	vst v63  }
0x23b: {  	s19 =	simm.s32 $0x7800  }
0x23c: {  	[tilespmem:s19], [sflag:$0x1] =	stream.indirect_vreg.gather [hbm4b:s10+s3], $0x80, v3, vm0, $0xb8;
	[tilespmem:$0x18800] =	vst v63  }
0x23d: {  	s19 =	simm.s32 $0x8000  }
0x23e: {  	[tilespmem:s19], [sflag:$0x1] =	stream.indirect_vreg.gather [hbm4b:s11+s3], $0x80, v3, vm0, $0xb8;
	[tilespmem:$0x18800] =	vst v63  }
0x23f: {  	_ =	swait.ge [sflag:s16], $0x8000  }
0x240: {  	[sflag:s16] =	ssyncset.done $0x0  }
0x241: {  	s1 =	simm.s32 $0x8800;
	s19 =	rddreg [dreg:$0x1a];
	[sflag:s16] =	ssyncadd.s32 $0xFFFF8000  }
0x242: {  	[hbm4b:s19+s3] =	stream.linear.scatter [tilespmem:s1], [sflag:$0x6], $0x8000, $0x38;
	[tilespmem:$0x18800] =	vst v63  }
0x243: {  	_ =	swait.ge [sflag:s17], $0x8000  }
0x244: {  	[sflag:s17] =	ssyncset.done $0x0  }
0x245: {  	[sflag:s17] =	ssyncadd.s32 $0xFFFF8000  }
0x246: {  	v3 =	vld [tilespmem:$0x500];
	_ =	sdelay $0x4  }
0x247: {  	v58 =	vshll.u32 v3, $0x4  }
0x248: {  	v3 =	vand.u32 $0x7, v3;
	v4 =	vand.u32 $0xFFFFFF80, v58  }
0x249: {  	v3 =	vor.u32 v3, v4  }
0x24a: {  	v4 =	vperm.xlane v3, v0;
	_ =	sdelay $0x1  }
0x24b: {  	v4 =	vadd.s32 v1, v4;
	_ =	sdelay $0x4  }
0x24c: {  	[tilespmem:s1], [sflag:$0x2] =	stream.indirect_vreg.gather [hbm4b:s2+s3], $0x80, v4, vm0, $0xb8;
	[tilespmem:$0x18800] =	vst v63  }
0x24d: {  	s19 =	simm.s32 $0x9000  }
0x24e: {  	[tilespmem:s19], [sflag:$0x2] =	stream.indirect_vreg.gather [hbm4b:s5+s3], $0x80, v4, vm0, $0xb8;
	[tilespmem:$0x18800] =	vst v63  }
0x24f: {  	s19 =	simm.s32 $0x9800  }
0x250: {  	[tilespmem:s19], [sflag:$0x2] =	stream.indirect_vreg.gather [hbm4b:s6+s3], $0x80, v4, vm0, $0xb8;
	[tilespmem:$0x18800] =	vst v63  }
0x251: {  	s19 =	simm.s32 $0xA000  }
0x252: {  	[tilespmem:s19], [sflag:$0x2] =	stream.indirect_vreg.gather [hbm4b:s7+s3], $0x80, v4, vm0, $0xb8;
	[tilespmem:$0x18800] =	vst v63  }
0x253: {  	_ = 	snop  }
0x254: {  	[tilespmem:s21], [sflag:$0x2] =	stream.indirect_vreg.gather [hbm4b:s8+s3], $0x80, v4, vm0, $0xb8;
	[tilespmem:$0x18800] =	vst v63  }
0x255: {  	v3 =	vperm.xlane v3, v2;
	s1 =	simm.s32 $0xB000  }
0x256: {  	[tilespmem:s1], [sflag:$0x2] =	stream.indirect_vreg.gather [hbm4b:s9+s3], $0x80, v4, vm0, $0xb8;
	[tilespmem:$0x18800] =	vst v63  }
0x257: {  	v3 =	vadd.s32 v1, v3;
	s21 =	simm.s32 $0xB800  }
0x258: {  	[tilespmem:s21], [sflag:$0x2] =	stream.indirect_vreg.gather [hbm4b:s10+s3], $0x80, v4, vm0, $0xb8;
	[tilespmem:$0x18800] =	vst v63  }
0x259: {  	s19 =	simm.s32 $0xC000  }
0x25a: {  	[tilespmem:s19], [sflag:$0x2] =	stream.indirect_vreg.gather [hbm4b:s11+s3], $0x80, v4, vm0, $0xb8;
	[tilespmem:$0x18800] =	vst v63  }
0x25b: {  	s21 =	simm.s32 $0xC800  }
0x25c: {  	[tilespmem:s21], [sflag:$0x2] =	stream.indirect_vreg.gather [hbm4b:s2+s3], $0x80, v3, vm0, $0xb8;
	[tilespmem:$0x18800] =	vst v63  }
0x25d: {  	s19 =	simm.s32 $0xD000  }
0x25e: {  	[tilespmem:s19], [sflag:$0x2] =	stream.indirect_vreg.gather [hbm4b:s5+s3], $0x80, v3, vm0, $0xb8;
	[tilespmem:$0x18800] =	vst v63  }
0x25f: {  	s21 =	simm.s32 $0xD800  }
0x260: {  	[tilespmem:s21], [sflag:$0x2] =	stream.indirect_vreg.gather [hbm4b:s6+s3], $0x80, v3, vm0, $0xb8;
	[tilespmem:$0x18800] =	vst v63  }
0x261: {  	_ = 	snop  }
0x262: {  	[tilespmem:s25], [sflag:$0x2] =	stream.indirect_vreg.gather [hbm4b:s7+s3], $0x80, v3, vm0, $0xb8;
	[tilespmem:$0x18800] =	vst v63  }
0x263: {  	s1 =	simm.s32 $0xE800  }
0x264: {  	[tilespmem:s1], [sflag:$0x2] =	stream.indirect_vreg.gather [hbm4b:s8+s3], $0x80, v3, vm0, $0xb8;
	[tilespmem:$0x18800] =	vst v63  }
0x265: {  	s21 =	simm.s32 $0xF000  }
0x266: {  	[tilespmem:s21], [sflag:$0x2] =	stream.indirect_vreg.gather [hbm4b:s9+s3], $0x80, v3, vm0, $0xb8;
	[tilespmem:$0x18800] =	vst v63  }
0x267: {  	_ = 	snop  }
0x268: {  	[tilespmem:s22], [sflag:$0x2] =	stream.indirect_vreg.gather [hbm4b:s10+s3], $0x80, v3, vm0, $0xb8;
	[tilespmem:$0x18800] =	vst v63  }
0x269: {  	s25 =	simm.s32 $0x10000  }
0x26a: {  	[tilespmem:s25], [sflag:$0x2] =	stream.indirect_vreg.gather [hbm4b:s11+s3], $0x80, v3, vm0, $0xb8;
	[tilespmem:$0x18800] =	vst v63  }
0x26b: {  	_ =	swait.ge [sflag:s18], $0x8000  }
0x26c: {  	[sflag:s18] =	ssyncset.done $0x0  }
0x26d: {  	s12 =	simm.s32 $0x10800;
	s1 =	rddreg [dreg:$0x1b];
	[sflag:s18] =	ssyncadd.s32 $0xFFFF8000  }
0x26e: {  	[hbm4b:s1+s3] =	stream.linear.scatter [tilespmem:s12], [sflag:$0x7], $0x8000, $0x38;
	[tilespmem:$0x18800] =	vst v63  }
0x26f: {  	_ =	swait.ge [sflag:s4], $0x8000  }
0x270: {  	[sflag:s4] =	ssyncset.done $0x0  }
0x271: {  	[sflag:s4] =	ssyncadd.s32 $0xFFFF8000  }
0x272: {  	v3 =	vld [tilespmem:$0x580];
	_ =	sdelay $0x4  }
0x273: {  	v59 =	vshll.u32 v3, $0x4  }
0x274: {  	v3 =	vand.u32 $0x7, v3;
	v4 =	vand.u32 $0xFFFFFF80, v59  }
0x275: {  	v3 =	vor.u32 v3, v4  }
0x276: {  	v4 =	vperm.xlane v3, v0;
	_ =	sdelay $0x1  }
0x277: {  	v4 =	vadd.s32 v1, v4;
	_ =	sdelay $0x4  }
0x278: {  	[tilespmem:s12], [sflag:$0x3] =	stream.indirect_vreg.gather [hbm4b:s2+s3], $0x80, v4, vm0, $0xb8;
	[tilespmem:$0x18800] =	vst v63  }
0x279: {  	_ = 	snop  }
0x27a: {  	[tilespmem:s15], [sflag:$0x3] =	stream.indirect_vreg.gather [hbm4b:s5+s3], $0x80, v4, vm0, $0xb8;
	[tilespmem:$0x18800] =	vst v63  }
0x27b: {  	s19 =	simm.s32 $0x11800  }
0x27c: {  	[tilespmem:s19], [sflag:$0x3] =	stream.indirect_vreg.gather [hbm4b:s6+s3], $0x80, v4, vm0, $0xb8;
	[tilespmem:$0x18800] =	vst v63  }
0x27d: {  	s22 =	simm.s32 $0x12000  }
0x27e: {  	[tilespmem:s22], [sflag:$0x3] =	stream.indirect_vreg.gather [hbm4b:s7+s3], $0x80, v4, vm0, $0xb8;
	[tilespmem:$0x18800] =	vst v63  }
0x27f: {  	s25 =	simm.s32 $0x12800  }
0x280: {  	[tilespmem:s25], [sflag:$0x3] =	stream.indirect_vreg.gather [hbm4b:s8+s3], $0x80, v4, vm0, $0xb8;
	[tilespmem:$0x18800] =	vst v63  }
0x281: {  	s1 =	simm.s32 $0x13000;
	v3 =	vperm.xlane v3, v2  }
0x282: {  	[tilespmem:s1], [sflag:$0x3] =	stream.indirect_vreg.gather [hbm4b:s9+s3], $0x80, v4, vm0, $0xb8;
	[tilespmem:$0x18800] =	vst v63  }
0x283: {  	v3 =	vadd.s32 v1, v3;
	s12 =	simm.s32 $0x13800  }
0x284: {  	[tilespmem:s12], [sflag:$0x3] =	stream.indirect_vreg.gather [hbm4b:s10+s3], $0x80, v4, vm0, $0xb8;
	[tilespmem:$0x18800] =	vst v63  }
0x285: {  	s19 =	simm.s32 $0x14000  }
0x286: {  	[tilespmem:s19], [sflag:$0x3] =	stream.indirect_vreg.gather [hbm4b:s11+s3], $0x80, v4, vm0, $0xb8;
	[tilespmem:$0x18800] =	vst v63  }
0x287: {  	s22 =	simm.s32 $0x14800  }
0x288: {  	[tilespmem:s22], [sflag:$0x3] =	stream.indirect_vreg.gather [hbm4b:s2+s3], $0x80, v3, vm0, $0xb8;
	[tilespmem:$0x18800] =	vst v63  }
0x289: {  	s25 =	simm.s32 $0x15000  }
0x28a: {  	[tilespmem:s25], [sflag:$0x3] =	stream.indirect_vreg.gather [hbm4b:s5+s3], $0x80, v3, vm0, $0xb8;
	[tilespmem:$0x18800] =	vst v63  }
0x28b: {  	s1 =	simm.s32 $0x15800  }
0x28c: {  	[tilespmem:s1], [sflag:$0x3] =	stream.indirect_vreg.gather [hbm4b:s6+s3], $0x80, v3, vm0, $0xb8;
	[tilespmem:$0x18800] =	vst v63  }
0x28d: {  	s12 =	simm.s32 $0x16000  }
0x28e: {  	[tilespmem:s12], [sflag:$0x3] =	stream.indirect_vreg.gather [hbm4b:s7+s3], $0x80, v3, vm0, $0xb8;
	[tilespmem:$0x18800] =	vst v63  }
0x28f: {  	s19 =	simm.s32 $0x16800  }
0x290: {  	[tilespmem:s19], [sflag:$0x3] =	stream.indirect_vreg.gather [hbm4b:s8+s3], $0x80, v3, vm0, $0xb8;
	[tilespmem:$0x18800] =	vst v63  }
0x291: {  	s22 =	simm.s32 $0x17000  }
0x292: {  	[tilespmem:s22], [sflag:$0x3] =	stream.indirect_vreg.gather [hbm4b:s9+s3], $0x80, v3, vm0, $0xb8;
	[tilespmem:$0x18800] =	vst v63  }
0x293: {  	s25 =	simm.s32 $0x17800  }
0x294: {  	[tilespmem:s25], [sflag:$0x3] =	stream.indirect_vreg.gather [hbm4b:s10+s3], $0x80, v3, vm0, $0xb8;
	[tilespmem:$0x18800] =	vst v63  }
0x295: {  	s1 =	simm.s32 $0x18000  }
0x296: {  	[tilespmem:s1], [sflag:$0x3] =	stream.indirect_vreg.gather [hbm4b:s11+s3], $0x80, v3, vm0, $0xb8;
	[tilespmem:$0x18800] =	vst v63  }
0x297: {  	_ =	swait.ge [sflag:s23], $0x8000  }
0x298: {  	[sflag:s23] =	ssyncset.done $0x0  }
0x299: {  	s12 =	rddreg [dreg:$0x1c];
	[sflag:s23] =	ssyncadd.s32 $0xFFFF8000  }
0x29a: {  	[hbm4b:s12+s3] =	stream.linear.scatter [tilespmem:s20], [sflag:$0x5], $0x8000, $0x38;
	[tilespmem:$0x18800] =	vst v63  }
0x29b: {  	_ =	swait.ge [sflag:s0], $0x8000  }
0x29c: {  	[sflag:s0] =	ssyncset.done $0x0  }
0x29d: {  	[sflag:s0] =	ssyncadd.s32 $0xFFFF8000  }
0x29e: {  	v3 =	vld [tilespmem:$0x600];
	_ =	sdelay $0x4  }
0x29f: {  	v60 =	vshll.u32 v3, $0x4  }
0x2a0: {  	v3 =	vand.u32 $0x7, v3;
	v4 =	vand.u32 $0xFFFFFF80, v60  }
0x2a1: {  	v3 =	vor.u32 v3, v4  }
0x2a2: {  	v4 =	vperm.xlane v3, v0;
	_ =	sdelay $0x1  }
0x2a3: {  	v4 =	vadd.s32 v1, v4;
	_ =	sdelay $0x4  }
0x2a4: {  	[tilespmem:s20], [sflag:$0x1] =	stream.indirect_vreg.gather [hbm4b:s2+s3], $0x80, v4, vm0, $0xb8;
	[tilespmem:$0x18800] =	vst v63  }
0x2a5: {  	_ = 	snop  }
0x2a6: {  	[tilespmem:s24], [sflag:$0x1] =	stream.indirect_vreg.gather [hbm4b:s5+s3], $0x80, v4, vm0, $0xb8;
	[tilespmem:$0x18800] =	vst v63  }
0x2a7: {  	s15 =	simm.s32 $0x1800  }
0x2a8: {  	[tilespmem:s15], [sflag:$0x1] =	stream.indirect_vreg.gather [hbm4b:s6+s3], $0x80, v4, vm0, $0xb8;
	[tilespmem:$0x18800] =	vst v63  }
0x2a9: {  	_ = 	snop  }
0x2aa: {  	[tilespmem:s26], [sflag:$0x1] =	stream.indirect_vreg.gather [hbm4b:s7+s3], $0x80, v4, vm0, $0xb8;
	[tilespmem:$0x18800] =	vst v63  }
0x2ab: {  	s19 =	simm.s32 $0x2800  }
0x2ac: {  	[tilespmem:s19], [sflag:$0x1] =	stream.indirect_vreg.gather [hbm4b:s8+s3], $0x80, v4, vm0, $0xb8;
	[tilespmem:$0x18800] =	vst v63  }
0x2ad: {  	s22 =	simm.s32 $0x3000;
	v3 =	vperm.xlane v3, v2  }
0x2ae: {  	[tilespmem:s22], [sflag:$0x1] =	stream.indirect_vreg.gather [hbm4b:s9+s3], $0x80, v4, vm0, $0xb8;
	[tilespmem:$0x18800] =	vst v63  }
0x2af: {  	v3 =	vadd.s32 v1, v3  }
0x2b0: {  	[tilespmem:s28], [sflag:$0x1] =	stream.indirect_vreg.gather [hbm4b:s10+s3], $0x80, v4, vm0, $0xb8;
	[tilespmem:$0x18800] =	vst v63  }
0x2b1: {  	_ = 	snop  }
0x2b2: {  	[tilespmem:s29], [sflag:$0x1] =	stream.indirect_vreg.gather [hbm4b:s11+s3], $0x80, v4, vm0, $0xb8;
	[tilespmem:$0x18800] =	vst v63  }
0x2b3: {  	_ = 	snop  }
0x2b4: {  	[tilespmem:s30], [sflag:$0x1] =	stream.indirect_vreg.gather [hbm4b:s2+s3], $0x80, v3, vm0, $0xb8;
	[tilespmem:$0x18800] =	vst v63  }
0x2b5: {  	_ = 	snop  }
0x2b6: {  	[tilespmem:s31], [sflag:$0x1] =	stream.indirect_vreg.gather [hbm4b:s5+s3], $0x80, v3, vm0, $0xb8;
	[tilespmem:$0x18800] =	vst v63  }
0x2b7: {  	s15 =	simm.s32 $0x5800  }
0x2b8: {  	[tilespmem:s15], [sflag:$0x1] =	stream.indirect_vreg.gather [hbm4b:s6+s3], $0x80, v3, vm0, $0xb8;
	[tilespmem:$0x18800] =	vst v63  }
0x2b9: {  	s1 =	simm.s32 $0x6000  }
0x2ba: {  	[tilespmem:s1], [sflag:$0x1] =	stream.indirect_vreg.gather [hbm4b:s7+s3], $0x80, v3, vm0, $0xb8;
	[tilespmem:$0x18800] =	vst v63  }
0x2bb: {  	s15 =	simm.s32 $0x6800  }
0x2bc: {  	[tilespmem:s15], [sflag:$0x1] =	stream.indirect_vreg.gather [hbm4b:s8+s3], $0x80, v3, vm0, $0xb8;
	[tilespmem:$0x18800] =	vst v63  }
0x2bd: {  	_ = 	snop  }
0x2be: {  	[tilespmem:s14], [sflag:$0x1] =	stream.indirect_vreg.gather [hbm4b:s9+s3], $0x80, v3, vm0, $0xb8;
	[tilespmem:$0x18800] =	vst v63  }
0x2bf: {  	s19 =	simm.s32 $0x7800  }
0x2c0: {  	[tilespmem:s19], [sflag:$0x1] =	stream.indirect_vreg.gather [hbm4b:s10+s3], $0x80, v3, vm0, $0xb8;
	[tilespmem:$0x18800] =	vst v63  }
0x2c1: {  	s1 =	simm.s32 $0x8000  }
0x2c2: {  	[tilespmem:s1], [sflag:$0x1] =	stream.indirect_vreg.gather [hbm4b:s11+s3], $0x80, v3, vm0, $0xb8;
	[tilespmem:$0x18800] =	vst v63  }
0x2c3: {  	_ =	swait.ge [sflag:s16], $0x8000  }
0x2c4: {  	[sflag:s16] =	ssyncset.done $0x0  }
0x2c5: {  	s1 =	simm.s32 $0x8800;
	s19 =	rddreg [dreg:$0x1d];
	[sflag:s16] =	ssyncadd.s32 $0xFFFF8000  }
0x2c6: {  	[hbm4b:s19+s3] =	stream.linear.scatter [tilespmem:s1], [sflag:$0x6], $0x8000, $0x38;
	[tilespmem:$0x18800] =	vst v63  }
0x2c7: {  	_ =	swait.ge [sflag:s17], $0x8000  }
0x2c8: {  	[sflag:s17] =	ssyncset.done $0x0  }
0x2c9: {  	[sflag:s17] =	ssyncadd.s32 $0xFFFF8000  }
0x2ca: {  	v3 =	vld [tilespmem:$0x680];
	_ =	sdelay $0x4  }
0x2cb: {  	v61 =	vshll.u32 v3, $0x4  }
0x2cc: {  	v3 =	vand.u32 $0x7, v3;
	v4 =	vand.u32 $0xFFFFFF80, v61  }
0x2cd: {  	v3 =	vor.u32 v3, v4  }
0x2ce: {  	v4 =	vperm.xlane v3, v0;
	_ =	sdelay $0x1  }
0x2cf: {  	v4 =	vadd.s32 v1, v4;
	_ =	sdelay $0x4  }
0x2d0: {  	[tilespmem:s1], [sflag:$0x2] =	stream.indirect_vreg.gather [hbm4b:s2+s3], $0x80, v4, vm0, $0xb8;
	[tilespmem:$0x18800] =	vst v63  }
0x2d1: {  	s19 =	simm.s32 $0x9000  }
0x2d2: {  	[tilespmem:s19], [sflag:$0x2] =	stream.indirect_vreg.gather [hbm4b:s5+s3], $0x80, v4, vm0, $0xb8;
	[tilespmem:$0x18800] =	vst v63  }
0x2d3: {  	s19 =	simm.s32 $0x9800  }
0x2d4: {  	[tilespmem:s19], [sflag:$0x2] =	stream.indirect_vreg.gather [hbm4b:s6+s3], $0x80, v4, vm0, $0xb8;
	[tilespmem:$0x18800] =	vst v63  }
0x2d5: {  	s19 =	simm.s32 $0xA000  }
0x2d6: {  	[tilespmem:s19], [sflag:$0x2] =	stream.indirect_vreg.gather [hbm4b:s7+s3], $0x80, v4, vm0, $0xb8;
	[tilespmem:$0x18800] =	vst v63  }
0x2d7: {  	s19 =	simm.s32 $0xA800  }
0x2d8: {  	[tilespmem:s19], [sflag:$0x2] =	stream.indirect_vreg.gather [hbm4b:s8+s3], $0x80, v4, vm0, $0xb8;
	[tilespmem:$0x18800] =	vst v63  }
0x2d9: {  	v3 =	vperm.xlane v3, v2;
	s19 =	simm.s32 $0xB000  }
0x2da: {  	[tilespmem:s19], [sflag:$0x2] =	stream.indirect_vreg.gather [hbm4b:s9+s3], $0x80, v4, vm0, $0xb8;
	[tilespmem:$0x18800] =	vst v63  }
0x2db: {  	v3 =	vadd.s32 v1, v3;
	s19 =	simm.s32 $0xB800  }
0x2dc: {  	[tilespmem:s19], [sflag:$0x2] =	stream.indirect_vreg.gather [hbm4b:s10+s3], $0x80, v4, vm0, $0xb8;
	[tilespmem:$0x18800] =	vst v63  }
0x2dd: {  	s19 =	simm.s32 $0xC000  }
0x2de: {  	[tilespmem:s19], [sflag:$0x2] =	stream.indirect_vreg.gather [hbm4b:s11+s3], $0x80, v4, vm0, $0xb8;
	[tilespmem:$0x18800] =	vst v63  }
0x2df: {  	s19 =	simm.s32 $0xC800  }
0x2e0: {  	[tilespmem:s19], [sflag:$0x2] =	stream.indirect_vreg.gather [hbm4b:s2+s3], $0x80, v3, vm0, $0xb8;
	[tilespmem:$0x18800] =	vst v63  }
0x2e1: {  	s19 =	simm.s32 $0xD000  }
0x2e2: {  	[tilespmem:s19], [sflag:$0x2] =	stream.indirect_vreg.gather [hbm4b:s5+s3], $0x80, v3, vm0, $0xb8;
	[tilespmem:$0x18800] =	vst v63  }
0x2e3: {  	s19 =	simm.s32 $0xD800  }
0x2e4: {  	[tilespmem:s19], [sflag:$0x2] =	stream.indirect_vreg.gather [hbm4b:s6+s3], $0x80, v3, vm0, $0xb8;
	[tilespmem:$0x18800] =	vst v63  }
0x2e5: {  	s19 =	simm.s32 $0xE000  }
0x2e6: {  	[tilespmem:s19], [sflag:$0x2] =	stream.indirect_vreg.gather [hbm4b:s7+s3], $0x80, v3, vm0, $0xb8;
	[tilespmem:$0x18800] =	vst v63  }
0x2e7: {  	s19 =	simm.s32 $0xE800  }
0x2e8: {  	[tilespmem:s19], [sflag:$0x2] =	stream.indirect_vreg.gather [hbm4b:s8+s3], $0x80, v3, vm0, $0xb8;
	[tilespmem:$0x18800] =	vst v63  }
0x2e9: {  	s19 =	simm.s32 $0xF000  }
0x2ea: {  	[tilespmem:s19], [sflag:$0x2] =	stream.indirect_vreg.gather [hbm4b:s9+s3], $0x80, v3, vm0, $0xb8;
	[tilespmem:$0x18800] =	vst v63  }
0x2eb: {  	s19 =	simm.s32 $0xF800  }
0x2ec: {  	[tilespmem:s19], [sflag:$0x2] =	stream.indirect_vreg.gather [hbm4b:s10+s3], $0x80, v3, vm0, $0xb8;
	[tilespmem:$0x18800] =	vst v63  }
0x2ed: {  	s21 =	simm.s32 $0x10000  }
0x2ee: {  	[tilespmem:s21], [sflag:$0x2] =	stream.indirect_vreg.gather [hbm4b:s11+s3], $0x80, v3, vm0, $0xb8;
	[tilespmem:$0x18800] =	vst v63  }
0x2ef: {  	_ =	swait.ge [sflag:s18], $0x8000  }
0x2f0: {  	[sflag:s18] =	ssyncset.done $0x0  }
0x2f1: {  	s21 =	simm.s32 $0x10800;
	s19 =	rddreg [dreg:$0x1e];
	[sflag:s18] =	ssyncadd.s32 $0xFFFF8000  }
0x2f2: {  	[hbm4b:s19+s3] =	stream.linear.scatter [tilespmem:s21], [sflag:$0x7], $0x8000, $0x38;
	[tilespmem:$0x18800] =	vst v63  }
0x2f3: {  	_ =	swait.ge [sflag:s4], $0x8000  }
0x2f4: {  	[sflag:s4] =	ssyncset.done $0x0  }
0x2f5: {  	[sflag:s4] =	ssyncadd.s32 $0xFFFF8000  }
0x2f6: {  	v3 =	vld [tilespmem:$0x700];
	_ =	sdelay $0x4  }
0x2f7: {  	v62 =	vshll.u32 v3, $0x4  }
0x2f8: {  	v3 =	vand.u32 $0x7, v3;
	v4 =	vand.u32 $0xFFFFFF80, v62  }
0x2f9: {  	v3 =	vor.u32 v3, v4  }
0x2fa: {  	v4 =	vperm.xlane v3, v0;
	_ =	sdelay $0x1  }
0x2fb: {  	v4 =	vadd.s32 v1, v4;
	_ =	sdelay $0x4  }
0x2fc: {  	[tilespmem:s21], [sflag:$0x3] =	stream.indirect_vreg.gather [hbm4b:s2+s3], $0x80, v4, vm0, $0xb8;
	[tilespmem:$0x18800] =	vst v63  }
0x2fd: {  	s19 =	simm.s32 $0x11000  }
0x2fe: {  	[tilespmem:s19], [sflag:$0x3] =	stream.indirect_vreg.gather [hbm4b:s5+s3], $0x80, v4, vm0, $0xb8;
	[tilespmem:$0x18800] =	vst v63  }
0x2ff: {  	s19 =	simm.s32 $0x11800  }
0x300: {  	[tilespmem:s19], [sflag:$0x3] =	stream.indirect_vreg.gather [hbm4b:s6+s3], $0x80, v4, vm0, $0xb8;
	[tilespmem:$0x18800] =	vst v63  }
0x301: {  	s19 =	simm.s32 $0x12000  }
0x302: {  	[tilespmem:s19], [sflag:$0x3] =	stream.indirect_vreg.gather [hbm4b:s7+s3], $0x80, v4, vm0, $0xb8;
	[tilespmem:$0x18800] =	vst v63  }
0x303: {  	s19 =	simm.s32 $0x12800  }
0x304: {  	[tilespmem:s19], [sflag:$0x3] =	stream.indirect_vreg.gather [hbm4b:s8+s3], $0x80, v4, vm0, $0xb8;
	[tilespmem:$0x18800] =	vst v63  }
0x305: {  	v3 =	vperm.xlane v3, v2;
	s19 =	simm.s32 $0x13000  }
0x306: {  	[tilespmem:s19], [sflag:$0x3] =	stream.indirect_vreg.gather [hbm4b:s9+s3], $0x80, v4, vm0, $0xb8;
	[tilespmem:$0x18800] =	vst v63  }
0x307: {  	v3 =	vadd.s32 v1, v3;
	s19 =	simm.s32 $0x13800  }
0x308: {  	[tilespmem:s19], [sflag:$0x3] =	stream.indirect_vreg.gather [hbm4b:s10+s3], $0x80, v4, vm0, $0xb8;
	[tilespmem:$0x18800] =	vst v63  }
0x309: {  	s19 =	simm.s32 $0x14000  }
0x30a: {  	[tilespmem:s19], [sflag:$0x3] =	stream.indirect_vreg.gather [hbm4b:s11+s3], $0x80, v4, vm0, $0xb8;
	[tilespmem:$0x18800] =	vst v63  }
0x30b: {  	s19 =	simm.s32 $0x14800  }
0x30c: {  	[tilespmem:s19], [sflag:$0x3] =	stream.indirect_vreg.gather [hbm4b:s2+s3], $0x80, v3, vm0, $0xb8;
	[tilespmem:$0x18800] =	vst v63  }
0x30d: {  	s19 =	simm.s32 $0x15000  }
0x30e: {  	[tilespmem:s19], [sflag:$0x3] =	stream.indirect_vreg.gather [hbm4b:s5+s3], $0x80, v3, vm0, $0xb8;
	[tilespmem:$0x18800] =	vst v63  }
0x30f: {  	s19 =	simm.s32 $0x15800  }
0x310: {  	[tilespmem:s19], [sflag:$0x3] =	stream.indirect_vreg.gather [hbm4b:s6+s3], $0x80, v3, vm0, $0xb8;
	[tilespmem:$0x18800] =	vst v63  }
0x311: {  	s19 =	simm.s32 $0x16000  }
0x312: {  	[tilespmem:s19], [sflag:$0x3] =	stream.indirect_vreg.gather [hbm4b:s7+s3], $0x80, v3, vm0, $0xb8;
	[tilespmem:$0x18800] =	vst v63  }
0x313: {  	s19 =	simm.s32 $0x16800  }
0x314: {  	[tilespmem:s19], [sflag:$0x3] =	stream.indirect_vreg.gather [hbm4b:s8+s3], $0x80, v3, vm0, $0xb8;
	[tilespmem:$0x18800] =	vst v63  }
0x315: {  	s19 =	simm.s32 $0x17000  }
0x316: {  	[tilespmem:s19], [sflag:$0x3] =	stream.indirect_vreg.gather [hbm4b:s9+s3], $0x80, v3, vm0, $0xb8;
	[tilespmem:$0x18800] =	vst v63  }
0x317: {  	s19 =	simm.s32 $0x17800  }
0x318: {  	[tilespmem:s19], [sflag:$0x3] =	stream.indirect_vreg.gather [hbm4b:s10+s3], $0x80, v3, vm0, $0xb8;
	[tilespmem:$0x18800] =	vst v63  }
0x319: {  	s19 =	simm.s32 $0x18000  }
0x31a: {  	[tilespmem:s19], [sflag:$0x3] =	stream.indirect_vreg.gather [hbm4b:s11+s3], $0x80, v3, vm0, $0xb8;
	[tilespmem:$0x18800] =	vst v63  }
0x31b: {  	_ =	swait.ge [sflag:s23], $0x8000  }
0x31c: {  	[sflag:s23] =	ssyncset.done $0x0  }
0x31d: {  	s19 =	rddreg [dreg:$0x1f];
	[sflag:s23] =	ssyncadd.s32 $0xFFFF8000  }
0x31e: {  	[hbm4b:s19+s3] =	stream.linear.scatter [tilespmem:s20], [sflag:$0x5], $0x8000, $0x38;
	[tilespmem:$0x18800] =	vst v63  }
0x31f: {  	_ =	swait.ge [sflag:s0], $0x8000  }
0x320: {  	[sflag:s0] =	ssyncset.done $0x0  }
0x321: {  	[sflag:s0] =	ssyncadd.s32 $0xFFFF8000  }
0x322: {  	v3 =	vld [tilespmem:$0x780];
	_ =	sdelay $0x4  }
0x323: {  	v63 =	vshll.u32 v3, $0x4  }
0x324: {  	v3 =	vand.u32 $0x7, v3;
	v4 =	vand.u32 $0xFFFFFF80, v63  }
0x325: {  	v3 =	vor.u32 v3, v4  }
0x326: {  	v4 =	vperm.xlane v3, v0;
	_ =	sdelay $0x1  }
0x327: {  	v4 =	vadd.s32 v1, v4;
	_ =	sdelay $0x4  }
0x328: {  	[tilespmem:s20], [sflag:$0x1] =	stream.indirect_vreg.gather [hbm4b:s2+s3], $0x80, v4, vm0, $0xb8;
	[tilespmem:$0x18800] =	vst v63  }
0x329: {  	s24 =	simm.s32 $0x1000  }
0x32a: {  	[tilespmem:s24], [sflag:$0x1] =	stream.indirect_vreg.gather [hbm4b:s5+s3], $0x80, v4, vm0, $0xb8;
	[tilespmem:$0x18800] =	vst v63  }
0x32b: {  	s25 =	simm.s32 $0x1800  }
0x32c: {  	[tilespmem:s25], [sflag:$0x1] =	stream.indirect_vreg.gather [hbm4b:s6+s3], $0x80, v4, vm0, $0xb8;
	[tilespmem:$0x18800] =	vst v63  }
0x32d: {  	s26 =	simm.s32 $0x2000  }
0x32e: {  	[tilespmem:s26], [sflag:$0x1] =	stream.indirect_vreg.gather [hbm4b:s7+s3], $0x80, v4, vm0, $0xb8;
	[tilespmem:$0x18800] =	vst v63  }
0x32f: {  	s12 =	simm.s32 $0x2800  }
0x330: {  	[tilespmem:s12], [sflag:$0x1] =	stream.indirect_vreg.gather [hbm4b:s8+s3], $0x80, v4, vm0, $0xb8;
	[tilespmem:$0x18800] =	vst v63  }
0x331: {  	s22 =	simm.s32 $0x3000;
	v3 =	vperm.xlane v3, v2  }
0x332: {  	[tilespmem:s22], [sflag:$0x1] =	stream.indirect_vreg.gather [hbm4b:s9+s3], $0x80, v4, vm0, $0xb8;
	[tilespmem:$0x18800] =	vst v63  }
0x333: {  	s28 =	simm.s32 $0x3800;
	v3 =	vadd.s32 v1, v3  }
0x334: {  	[tilespmem:s28], [sflag:$0x1] =	stream.indirect_vreg.gather [hbm4b:s10+s3], $0x80, v4, vm0, $0xb8;
	[tilespmem:$0x18800] =	vst v63  }
0x335: {  	s29 =	simm.s32 $0x4000  }
0x336: {  	[tilespmem:s29], [sflag:$0x1] =	stream.indirect_vreg.gather [hbm4b:s11+s3], $0x80, v4, vm0, $0xb8;
	[tilespmem:$0x18800] =	vst v63  }
0x337: {  	s30 =	simm.s32 $0x4800  }
0x338: {  	[tilespmem:s30], [sflag:$0x1] =	stream.indirect_vreg.gather [hbm4b:s2+s3], $0x80, v3, vm0, $0xb8;
	[tilespmem:$0x18800] =	vst v63  }
0x339: {  	s31 =	simm.s32 $0x5000  }
0x33a: {  	[tilespmem:s31], [sflag:$0x1] =	stream.indirect_vreg.gather [hbm4b:s5+s3], $0x80, v3, vm0, $0xb8;
	[tilespmem:$0x18800] =	vst v63  }
0x33b: {  	s22 =	simm.s32 $0x5800  }
0x33c: {  	[tilespmem:s22], [sflag:$0x1] =	stream.indirect_vreg.gather [hbm4b:s6+s3], $0x80, v3, vm0, $0xb8;
	[tilespmem:$0x18800] =	vst v63  }
0x33d: {  	s24 =	simm.s32 $0x6000  }
0x33e: {  	[tilespmem:s24], [sflag:$0x1] =	stream.indirect_vreg.gather [hbm4b:s7+s3], $0x80, v3, vm0, $0xb8;
	[tilespmem:$0x18800] =	vst v63  }
0x33f: {  	s25 =	simm.s32 $0x6800  }
0x340: {  	[tilespmem:s25], [sflag:$0x1] =	stream.indirect_vreg.gather [hbm4b:s8+s3], $0x80, v3, vm0, $0xb8;
	[tilespmem:$0x18800] =	vst v63  }
0x341: {  	s14 =	simm.s32 $0x7000  }
0x342: {  	[tilespmem:s14], [sflag:$0x1] =	stream.indirect_vreg.gather [hbm4b:s9+s3], $0x80, v3, vm0, $0xb8;
	[tilespmem:$0x18800] =	vst v63  }
0x343: {  	s15 =	simm.s32 $0x7800  }
0x344: {  	[tilespmem:s15], [sflag:$0x1] =	stream.indirect_vreg.gather [hbm4b:s10+s3], $0x80, v3, vm0, $0xb8;
	[tilespmem:$0x18800] =	vst v63  }
0x345: {  	s26 =	simm.s32 $0x8000  }
0x346: {  	[tilespmem:s26], [sflag:$0x1] =	stream.indirect_vreg.gather [hbm4b:s11+s3], $0x80, v3, vm0, $0xb8;
	[tilespmem:$0x18800] =	vst v63  }
0x347: {  	_ =	swait.ge [sflag:s16], $0x8000  }
0x348: {  	s28 =	sld [smem:$0x7EB]  }
0x349: {  	[sflag:s16] =	ssyncset.done $0x0  }
0x34a: {  	s1 =	simm.s32 $0x8800;
	[sflag:s16] =	ssyncadd.s32 $0xFFFF8000  }
0x34b: {  	[hbm4b:s28+s3] =	stream.linear.scatter [tilespmem:s1], [sflag:$0x6], $0x8000, $0x38;
	[tilespmem:$0x18800] =	vst v63  }
0x34c: {  	_ =	swait.ge [sflag:s18], $0x8000  }
0x34d: {  	s29 =	sld [smem:$0x7EC]  }
0x34e: {  	[sflag:s18] =	ssyncset.done $0x0  }
0x34f: {  	s21 =	simm.s32 $0x10800;
	[sflag:s18] =	ssyncadd.s32 $0xFFFF8000  }
0x350: {  	[hbm4b:s29+s3] =	stream.linear.scatter [tilespmem:s21], [sflag:$0x7], $0x8000, $0x38;
	[tilespmem:$0x18800] =	vst v63  }
0x351: {  	_ =	swait.ge [sflag:s23], $0x8000  }
0x352: {  	s30 =	sld [smem:$0x7EE]  }
0x353: {  	[sflag:s23] =	ssyncset.done $0x0  }
0x354: {  	[sflag:s23] =	ssyncadd.s32 $0xFFFF8000  }
0x355: {  	[hbm4b:s30+s3] =	stream.linear.scatter [tilespmem:s20], [sflag:$0x5], $0x8000, $0x38;
	[tilespmem:$0x18800] =	vst v63  }
0x356: {  	s31 =	sld [smem:$0x7EA];
	_ =	swait.ge [sflag:s17], $0x8000  }
0x357: {  	[sflag:s17] =	ssyncset.done $0x0  }
0x358: {  	[sflag:s17] =	ssyncadd.s32 $0xFFFF8000  }
0x359: {  	p0 =	sne.s32 s31, $0x1;
	_ =	swait.ge [sflag:s4], $0x8000  }
.Ltmp0:
0x35a: {  	[sflag:s4] =	ssyncset.done $0x0;
	(pc) =	sbr.rel @p0 .LBB2_1-.Ltmp0, $4  }
0x35b: {  	[sflag:s4] =	ssyncadd.s32 $0xFFFF8000  }
0x35c: {  	_ =	swait.ge [sflag:s0], $0x8000  }
0x35d: {  	[sflag:s0] =	ssyncset.done $0x0  }
0x35e: {  	s12 =	sadd.s32 $0xFFFFFFFF, s31;
	[sflag:s0] =	ssyncadd.s32 $0xFFFF8000  }
0x35f: {  	_ =	sfence.sel $0x180000  }
0x360: {  	[bflag:$0x0] =	sbarrier.arrive $0xFFFF  }
0x361: {  	_ =	strace $0x90000047  }
0x362: {  	s0 =	stileid.u32;
	[bflag:$0x2] =	sbarrier.arrive $0xFFFF  }
0x363: {  	p0 =	sne.s32 s0, $0x0;
	s0 =	rddreg [dreg:$0x3]  }
0x364: {  	s0 =	sadd.s32 @!p0 $0x100000, s0  }
0x365: {  	[sflag:s0] =	ssyncadd.tile.s32 @!p0 $0x1;
	_ =	shalt  }
.Lfunc_end2:
_tile_overlayer_lowered:
.L_overlay_start_2:
0x366: {  	(tag) =	ssettag $0x2  }
0x367: {  	s0 =	rddreg [dreg:$0x0];
	s2 =	stileid.u32  }
0x368: {  	s1 =	rddreg [dreg:$0x1];
	p0 =	sne.s32 s2, $0x0  }
0x369: {  	s3 =	rddreg [dreg:$0x2];
	[bflag:$0x3] =	sbarrier.arrive $0xFFFF;
	s2 =	simm.s32 @!p0 $0x1C08  }
0x36a: {  	[timem:s3], [sflag:s2] =	dma.local @!p0 [hbm:s0], s1  }
0x36b: {  	s0 =	simm.s32 @!p0 $0x8  }
0x36c: {  	_ =	swait.ge @!p0 [sflag:s0], s1  }
0x36d: {  	s1 =	ssub.s32 @!p0 $0x0, s1;
	[sflag:s0] =	ssyncset.done @!p0 $0x0  }
0x36e: {  	[sflag:s0] =	ssyncadd.s32 @!p0 s1  }
0x36f: {  	[bflag:$0x3] =	sbarrier.arrive $0xFFFF  }
0x370: {  	_ =	shalt  }

</sc_bundles>
